<compile_context>
chip_gen: v7x
topology: tpu7x:2x2x1
jax: 0.10.2.dev20260603
libtpu: 0.0.44.dev20260713+nightly
codegen_flags: <defaults>
</compile_context>

<pallas_src>
import jax
import jax.numpy as jnp
from jax import lax
from jax.experimental import pallas as pl
from jax.experimental.pallas import tpu as pltpu
from jax.experimental.pallas import tpu_sc as plsc

TOTAL_POS = 64
TOTAL_NEG = 64
NMS_TOPN = 300
NMS_IOU = 0.7

_B = 8
_N = 20000
_NPAD = 20480
_OPAD = 512
_CAP = 512
_CPAD = 528
_NCHUNK = _N // 16



def _sc_extract(lab_hbm, ay1_hbm, ax1_hbm, ay2_hbm, ax2_hbm,
                dy_hbm, dx_hbm, dh_hbm, dw_hbm,
                okey_hbm, oay1_hbm, oax1_hbm, oay2_hbm, oax2_hbm,
                ody_hbm, odx_hbm, odh_hbm, odw_hbm,
                key_vm, pa_vm, pb_vm,
                okey_vm, cidx_vm, og_vm,
                histo_vm, sem_a, sem_b):
    nc = 2
    w = lax.axis_index("s") * nc + lax.axis_index("c")

    @pl.when(w < _B)
    def _():
        pltpu.sync_copy(lab_hbm.at[w], key_vm)

        lane = lax.broadcasted_iota(jnp.int32, (16,), 0)
        zeros16 = jnp.zeros((16,), jnp.int32)
        ones16 = jnp.ones((16,), jnp.int32)

        def kchunk(i):
            return plsc.bitcast(key_vm[pl.ds(i * 16, 16)], jnp.int32)

        def clr(i, c):
            histo_vm[pl.ds(i * 16, 16)] = zeros16
            return c
        lax.fori_loop(0, 256, clr, 0)

        def h1(i, c):
            b = lax.shift_right_arithmetic(kchunk(i), 23)
            plsc.addupdate_scatter(histo_vm, [b * 16 + lane], ones16)
            return c
        lax.fori_loop(0, _NCHUNK, h1, 0)

        def s1(j, carry):
            e = 255 - j
            found, e_star, acc = carry
            c = jnp.sum(histo_vm[pl.ds(e * 16, 16)])
            hit = jnp.logical_and(jnp.logical_not(found), acc + c > _CAP)
            e_star = jnp.where(hit, e, e_star)
            acc = jnp.where(jnp.logical_or(found, hit), acc, acc + c)
            found = jnp.logical_or(found, hit)
            return found, e_star, acc
        _, e_star, c1_above = lax.fori_loop(
            0, 256, s1, (jnp.bool_(False), jnp.int32(0), jnp.int32(0)))

        lax.fori_loop(0, 256, clr, 0)

        def h2(i, c):
            kv = kchunk(i)
            e = lax.shift_right_arithmetic(kv, 23)
            b = jnp.bitwise_and(lax.shift_right_arithmetic(kv, 15), 255)
            plsc.addupdate_scatter(histo_vm, [b * 16 + lane], ones16,
                                   mask=e == e_star)
            return c
        lax.fori_loop(0, _NCHUNK, h2, 0)

        budget = _CAP - c1_above

        def s2(j, carry):
            b = 255 - j
            found, b_star, acc = carry
            c = jnp.sum(histo_vm[pl.ds(b * 16, 16)])
            hit = jnp.logical_and(jnp.logical_not(found), acc + c > budget)
            b_star = jnp.where(hit, b, b_star)
            acc = jnp.where(jnp.logical_or(found, hit), acc, acc + c)
            found = jnp.logical_or(found, hit)
            return found, b_star, acc
        _, b_star, _ = lax.fori_loop(
            0, 256, s2, (jnp.bool_(False), jnp.int32(-1), jnp.int32(0)))

        t = lax.shift_left(e_star, 23) + lax.shift_left(b_star + 1, 15)

        def ini(i, c):
            okey_vm[pl.ds(i * 16, 16)] = jnp.full((16,), -1, jnp.int32)
            cidx_vm[pl.ds(i * 16, 16)] = zeros16
            return c
        lax.fori_loop(0, _CPAD // 16, ini, 0)

        def comp(i, cnt):
            kv = kchunk(i)
            m = kv >= t
            plsc.store_compressed(okey_vm.at[pl.ds(cnt, 16)], kv, mask=m)
            plsc.store_compressed(cidx_vm.at[pl.ds(cnt, 16)],
                                  i * 16 + lane, mask=m)
            return cnt + jnp.sum(jnp.where(m, 1, 0))
        lax.fori_loop(0, _NCHUNK, comp, jnp.int32(0))

        pltpu.sync_copy(okey_vm, okey_hbm.at[w])

        planes_in = (ay1_hbm, ax1_hbm, ay2_hbm, ax2_hbm,
                     dy_hbm, dx_hbm, dh_hbm, dw_hbm)
        planes_out = (oay1_hbm, oax1_hbm, oay2_hbm, oax2_hbm,
                      ody_hbm, odx_hbm, odh_hbm, odw_hbm)
        bufs = (pa_vm, pb_vm)
        sems = (sem_a, sem_b)
        cps = [pltpu.async_copy(planes_in[0].at[w], bufs[0], sems[0]), None]
        for k in range(8):
            cur = k % 2
            nxt = (k + 1) % 2
            if k < 7:
                cps[nxt] = pltpu.async_copy(
                    planes_in[k + 1].at[w], bufs[nxt], sems[nxt])
            cps[cur].wait()
            buf = bufs[cur]

            def g(i, c):
                iv = cidx_vm[pl.ds(i * 16, 16)]
                og_vm[pl.ds(i * 16, 16)] = plsc.load_gather(buf, [iv])
                return c
            lax.fori_loop(0, _CPAD // 16, g, 0)
            pltpu.sync_copy(og_vm, planes_out[k].at[w])


def _extract(lab, ay1, ax1, ay2, ax2, dy, dx, dh, dw):
    mesh = plsc.VectorSubcoreMesh(core_axis_name="c", subcore_axis_name="s")
    out_type = ([jax.ShapeDtypeStruct((_B, _CPAD), jnp.int32)]
                + [jax.ShapeDtypeStruct((_B, _CPAD), jnp.float32)] * 8)
    scratch = ([pltpu.VMEM((_NPAD,), jnp.float32)] * 3
               + [pltpu.VMEM((_CPAD,), jnp.int32)] * 2
               + [pltpu.VMEM((_CPAD,), jnp.float32)]
               + [pltpu.VMEM((4096,), jnp.int32)]
               + [pltpu.SemaphoreType.DMA] * 2)
    f = pl.kernel(_sc_extract, out_type=out_type, mesh=mesh,
                  scratch_types=scratch,
                  compiler_params=pltpu.CompilerParams(
                      needs_layout_passes=False))
    return f(lab, ay1, ax1, ay2, ax2, dy, dx, dh, dw)



def _scan_body(key0, cay1, cax1, cay2, cax2, cdy, cdx, cdh, cdw,
               oy1, ox1, oy2, ox2, flag):
    aw = cax2[...] - cax1[...]
    ah = cay2[...] - cay1[...]
    acx = cax1[...] + 0.5 * aw
    acy = cay1[...] + 0.5 * ah
    bw = jnp.exp(cdw[...]) * aw
    bh = jnp.exp(cdh[...]) * ah
    bcx = cdx[...] * aw + acx
    bcy = cdy[...] * ah + acy
    vy1 = bcy - 0.5 * bh
    vx1 = bcx - 0.5 * bw
    vy2 = vy1 + bh
    vx2 = vx1 + bw
    areav = (vy2 - vy1) * (vx2 - vx1)

    lane = lax.broadcasted_iota(jnp.int32, (_B, _CAP), 1)
    olane = lax.broadcasted_iota(jnp.int32, (_B, _OPAD), 1)
    NEG = jnp.float32(-3.4e38)
    zf = jnp.zeros((_B, _OPAD), jnp.float32)

    def body(i, carry):
        kv, a1, a2, a3, a4, fl = carry
        m = jnp.max(kv, axis=1, keepdims=True)
        sel0 = kv == m
        sy1 = jnp.max(jnp.where(sel0, vy1, NEG), axis=1, keepdims=True)
        sx1 = jnp.max(jnp.where(sel0, vx1, NEG), axis=1, keepdims=True)
        sy2 = jnp.max(jnp.where(sel0, vy2, NEG), axis=1, keepdims=True)
        sx2 = jnp.max(jnp.where(sel0, vx2, NEG), axis=1, keepdims=True)
        tiecnt = jnp.sum(sel0.astype(jnp.int32), axis=1, keepdims=True)

        def repair(_):
            idx = jnp.min(jnp.where(sel0, lane, jnp.int32(2 ** 30)),
                          axis=1, keepdims=True)
            sel = lane == idx
            ry1 = jnp.max(jnp.where(sel, vy1, NEG), axis=1, keepdims=True)
            rx1 = jnp.max(jnp.where(sel, vx1, NEG), axis=1, keepdims=True)
            ry2 = jnp.max(jnp.where(sel, vy2, NEG), axis=1, keepdims=True)
            rx2 = jnp.max(jnp.where(sel, vx2, NEG), axis=1, keepdims=True)
            return ry1, rx1, ry2, rx2

        sy1, sx1, sy2, sx2 = lax.cond(
            jnp.max(tiecnt) > 1, repair,
            lambda _: (sy1, sx1, sy2, sx2), operand=None)
        a_area = (sy2 - sy1) * (sx2 - sx1)
        iy1 = jnp.maximum(sy1, vy1)
        ix1 = jnp.maximum(sx1, vx1)
        iy2 = jnp.minimum(sy2, vy2)
        ix2 = jnp.minimum(sx2, vx2)
        inter = jnp.maximum(iy2 - iy1, 0.0) * jnp.maximum(ix2 - ix1, 0.0)
        iou = inter / (a_area + areav - inter + 1e-7)
        kv = jnp.where(iou >= NMS_IOU, jnp.int32(-1), kv)
        fl = jnp.maximum(fl, (m == jnp.int32(-1)).astype(jnp.int32))
        hit = olane == i
        a1 = jnp.where(hit, sy1, a1)
        a2 = jnp.where(hit, sx1, a2)
        a3 = jnp.where(hit, sy2, a3)
        a4 = jnp.where(hit, sx2, a4)
        return kv, a1, a2, a3, a4, fl

    kv, a1, a2, a3, a4, fl = lax.fori_loop(
        0, NMS_TOPN, body,
        (key0[...], zf, zf, zf, zf, jnp.zeros((_B, 1), jnp.int32)))
    oy1[...] = a1
    ox1[...] = a2
    oy2[...] = a3
    ox2[...] = a4
    flag[...] = jnp.broadcast_to(fl, (_B, 128))


def _scan(ckey, cay1, cax1, cay2, cax2, cdy, cdx, cdh, cdw):
    return pl.pallas_call(
        _scan_body,
        out_shape=[jax.ShapeDtypeStruct((_B, _OPAD), jnp.float32)] * 4
        + [jax.ShapeDtypeStruct((_B, 128), jnp.int32)],
    )(ckey, cay1, cax1, cay2, cax2, cdy, cdx, cdh, cdw)



def _nms_body(ay1, ax1, ay2, ax2, dy, dx, dh, dw, sc,
              oy1, ox1, oy2, ox2,
              by1, bx1, by2, bx2, area, s):
    aw = ax2[...] - ax1[...]
    ah = ay2[...] - ay1[...]
    acx = ax1[...] + 0.5 * aw
    acy = ay1[...] + 0.5 * ah
    bw = jnp.exp(dw[...]) * aw
    bh = jnp.exp(dh[...]) * ah
    bcx = dx[...] * aw + acx
    bcy = dy[...] * ah + acy
    y1 = bcy - 0.5 * bh
    x1 = bcx - 0.5 * bw
    y2 = y1 + bh
    x2 = x1 + bw
    by1[...] = y1
    bx1[...] = x1
    by2[...] = y2
    bx2[...] = x2
    area[...] = (y2 - y1) * (x2 - x1)
    s[...] = sc[...]

    lane = lax.broadcasted_iota(jnp.int32, (_B, _NPAD), 1)
    olane = lax.broadcasted_iota(jnp.int32, (_B, _OPAD), 1)
    NEG = jnp.float32(-3.4e38)
    SUP = jnp.float32(-1e9)

    def body(i, carry):
        sv = s[...]
        m = jnp.max(sv, axis=1, keepdims=True)
        idx = jnp.min(jnp.where(sv == m, lane, jnp.int32(2 ** 30)),
                      axis=1, keepdims=True)
        sel = lane == idx
        vy1 = by1[...]
        vx1 = bx1[...]
        vy2 = by2[...]
        vx2 = bx2[...]
        sy1 = jnp.max(jnp.where(sel, vy1, NEG), axis=1, keepdims=True)
        sx1 = jnp.max(jnp.where(sel, vx1, NEG), axis=1, keepdims=True)
        sy2 = jnp.max(jnp.where(sel, vy2, NEG), axis=1, keepdims=True)
        sx2 = jnp.max(jnp.where(sel, vx2, NEG), axis=1, keepdims=True)
        a_area = (sy2 - sy1) * (sx2 - sx1)
        iy1 = jnp.maximum(sy1, vy1)
        ix1 = jnp.maximum(sx1, vx1)
        iy2 = jnp.minimum(sy2, vy2)
        ix2 = jnp.minimum(sx2, vx2)
        inter = jnp.maximum(iy2 - iy1, 0.0) * jnp.maximum(ix2 - ix1, 0.0)
        iou = inter / (a_area + area[...] - inter + 1e-7)
        snew = jnp.where(iou >= NMS_IOU, SUP, sv)
        snew = jnp.where(sel, SUP, snew)
        s[...] = snew
        hit = olane == i
        oy1[...] = jnp.where(hit, sy1, oy1[...])
        ox1[...] = jnp.where(hit, sx1, ox1[...])
        oy2[...] = jnp.where(hit, sy2, oy2[...])
        ox2[...] = jnp.where(hit, sx2, ox2[...])
        return carry

    lax.fori_loop(0, NMS_TOPN, body, jnp.int32(0))


def _nms_dense(planes):
    return pl.pallas_call(
        _nms_body,
        out_shape=[jax.ShapeDtypeStruct((_B, _OPAD), jnp.float32)] * 4,
        scratch_shapes=[pltpu.VMEM((_B, _NPAD), jnp.float32)] * 6,
    )(*planes)



def _iou_map(a, b):
    ay1, ax1, ay2, ax2 = jnp.split(a, 4, axis=-1)
    by1, bx1, by2, bx2 = jnp.split(b, 4, axis=-1)
    a_area = (ay2 - ay1) * (ax2 - ax1)
    b_area = (by2 - by1) * (bx2 - bx1)
    iy1 = jnp.maximum(ay1, by1.T)
    ix1 = jnp.maximum(ax1, bx1.T)
    iy2 = jnp.minimum(ay2, by2.T)
    ix2 = jnp.minimum(ax2, bx2.T)
    inter = jnp.maximum(iy2 - iy1, 0.0) * jnp.maximum(ix2 - ix1, 0.0)
    return inter / (a_area + b_area.T - inter + 1e-7)


def _select_single(nms_boxes, gt):
    iou_map = _iou_map(nms_boxes, gt)
    max_gt = jnp.argmax(iou_map, axis=1).astype(jnp.int32)
    merged = jnp.max(iou_map, axis=1)
    order = jnp.argsort(-merged).astype(jnp.int32)
    pos = order[:TOTAL_POS]
    return pos, jnp.take(max_gt, pos, axis=0)


def kernel(rpn_bbox_deltas, rpn_labels, anchors, gt_boxes):
    B, N = anchors.shape[0], anchors.shape[1]
    deltas = rpn_bbox_deltas.reshape(B, N, 4)
    labels = rpn_labels.reshape(B, N)

    pad = _NPAD - N
    def p0(x):
        return jnp.pad(x, ((0, 0), (0, pad)))
    base_planes = [
        p0(anchors[..., 0]), p0(anchors[..., 1]),
        p0(anchors[..., 2]), p0(anchors[..., 3]),
        p0(deltas[..., 0]), p0(deltas[..., 1]),
        p0(deltas[..., 2]), p0(deltas[..., 3]),
    ]
    planes_dense = base_planes + [
        jnp.pad(labels, ((0, 0), (0, pad)), constant_values=-3e9)]

    compacts = _extract(p0(labels), *base_planes)
    sy1, sx1, sy2, sx2, flag = _scan(*(c[:, :_CAP] for c in compacts))

    def fast_path(_):
        return jnp.stack(
            [sy1[:, :NMS_TOPN], sx1[:, :NMS_TOPN],
             sy2[:, :NMS_TOPN], sx2[:, :NMS_TOPN]], axis=-1)

    def dense_path(_):
        oy1, ox1, oy2, ox2 = _nms_dense(planes_dense)
        return jnp.stack(
            [oy1[:, :NMS_TOPN], ox1[:, :NMS_TOPN],
             oy2[:, :NMS_TOPN], ox2[:, :NMS_TOPN]], axis=-1)

    insufficient = jnp.any(flag != 0)
    nms_bboxes = lax.cond(insufficient, dense_path, fast_path, operand=None)

    bbox_indices, gt_box_indices = jax.vmap(_select_single)(nms_bboxes, gt_boxes)
    pos_roi = jnp.take_along_axis(nms_bboxes, bbox_indices[:, :, None], axis=1)
    neg_roi = jnp.zeros((B, TOTAL_NEG, 4), jnp.float32)
    roi_bboxes = jnp.concatenate([pos_roi, neg_roi], axis=1)
    return (jax.lax.stop_gradient(roi_bboxes), jax.lax.stop_gradient(gt_box_indices))

# --- scband reference (transcript-rebuilt; emitter-appended) ---
"""Pipeline reference for scband-ro-ibbox-2345052143695 (READ-ONLY COPY).

The authoritative reference and input builder live on the scoring server;
editing this copy changes nothing except your own understanding.
"""

import jax, jax.numpy as jnp
import numpy as np

TOTAL_POS = 64
TOTAL_NEG = 64
NMS_TOPN = 300
NMS_IOU = 0.7


def _make_boxes(key, shape):
    c = jax.random.uniform(key, shape, dtype=jnp.float32)
    yc = c[..., 0]
    xc = c[..., 1]
    h = c[..., 2] * 0.2 + 0.02
    w = c[..., 3] * 0.2 + 0.02
    return jnp.stack([yc - h / 2.0, xc - w / 2.0, yc + h / 2.0, xc + w / 2.0], axis=-1)


def setup_inputs(seed: int = 0):
    key = jax.random.key(seed)
    k1, k2, k3, k4 = jax.random.split(key, 4)
    B, N, M = 8, 20000, 20
    return {
        "rpn_bbox_deltas": jax.random.normal(k1, (B, N, 4), dtype=jnp.float32) * 0.1,
        "rpn_labels": jax.random.uniform(k2, (B, N, 1), dtype=jnp.float32),
        "anchors": _make_boxes(k3, (B, N, 4)),
        "gt_boxes": _make_boxes(k4, (B, M, 4)),
    }


def get_bboxes_from_deltas(anchors, deltas):
    anc_w = anchors[..., 3] - anchors[..., 1]
    anc_h = anchors[..., 2] - anchors[..., 0]
    anc_cx = anchors[..., 1] + 0.5 * anc_w
    anc_cy = anchors[..., 0] + 0.5 * anc_h
    bw = jnp.exp(deltas[..., 3]) * anc_w
    bh = jnp.exp(deltas[..., 2]) * anc_h
    bcx = deltas[..., 1] * anc_w + anc_cx
    bcy = deltas[..., 0] * anc_h + anc_cy
    y1 = bcy - 0.5 * bh
    x1 = bcx - 0.5 * bw
    return jnp.stack([y1, x1, y1 + bh, x1 + bw], axis=-1)


def _iou_map(a, b):
    ay1, ax1, ay2, ax2 = jnp.split(a, 4, axis=-1)
    by1, bx1, by2, bx2 = jnp.split(b, 4, axis=-1)
    a_area = (ay2 - ay1) * (ax2 - ax1)
    b_area = (by2 - by1) * (bx2 - bx1)
    iy1 = jnp.maximum(ay1, by1.T)
    ix1 = jnp.maximum(ax1, bx1.T)
    iy2 = jnp.minimum(ay2, by2.T)
    ix2 = jnp.minimum(ax2, bx2.T)
    inter = jnp.maximum(iy2 - iy1, 0.0) * jnp.maximum(ix2 - ix1, 0.0)
    return inter / (a_area + b_area.T - inter + 1e-7)


def _nms_single(boxes, scores):
    def body(i, state):
        s, sel = state
        idx = jnp.argmax(s).astype(jnp.int32)
        sel = sel.at[i].set(idx)
        ious = _iou_map(boxes[idx][None, :], boxes)[0]
        s = jnp.where(ious >= NMS_IOU, -1e9, s)
        s = s.at[idx].set(-1e9)
        return (s, sel)
    _, sel = jax.lax.fori_loop(0, NMS_TOPN, body, (scores, jnp.zeros((NMS_TOPN,), jnp.int32)))
    return jnp.take(boxes, sel, axis=0)


def _select_single(nms_boxes, gt):
    iou_map = _iou_map(nms_boxes, gt)
    max_gt = jnp.argmax(iou_map, axis=1).astype(jnp.int32)
    merged = jnp.max(iou_map, axis=1)
    order = jnp.argsort(-merged).astype(jnp.int32)
    pos = order[:TOTAL_POS]
    neg = order[TOTAL_POS:TOTAL_POS + TOTAL_NEG]
    return jnp.concatenate([pos, neg], axis=0), jnp.take(max_gt, pos, axis=0)


def reference(rpn_bbox_deltas, rpn_labels, anchors, gt_boxes):
    B, N = anchors.shape[0], anchors.shape[1]
    deltas = rpn_bbox_deltas.reshape(B, N, 4)
    labels = rpn_labels.reshape(B, N)
    rpn_bboxes = get_bboxes_from_deltas(anchors, deltas)
    nms_bboxes = jax.vmap(_nms_single)(rpn_bboxes, labels)
    bbox_indices, gt_box_indices = jax.vmap(_select_single)(nms_bboxes, gt_boxes)
    pos_roi = jnp.take_along_axis(nms_bboxes, bbox_indices[:, :TOTAL_POS, None], axis=1)
    neg_roi = jnp.zeros((B, TOTAL_NEG, 4), jnp.float32)
    roi_bboxes = jnp.concatenate([pos_roi, neg_roi], axis=1)
    return (jax.lax.stop_gradient(roi_bboxes), jax.lax.stop_gradient(gt_box_indices))

if __name__ == "__main__":
    import jax
    _d = setup_inputs()
    print(jax.jit(kernel)(*tuple(_d.values())))

</pallas_src>

<mosaic_0001>
#map = affine_map<(d0, d1) -> (0, 0)>
module attributes {stable_mosaic.version = 14 : i64} {
  func.func @_sc_extract(%arg0: i32, %arg1: i32, %arg2: memref<8x20480xf32, #tpu.memory_space<hbm>>, %arg3: memref<8x20480xf32, #tpu.memory_space<hbm>>, %arg4: memref<8x20480xf32, #tpu.memory_space<hbm>>, %arg5: memref<8x20480xf32, #tpu.memory_space<hbm>>, %arg6: memref<8x20480xf32, #tpu.memory_space<hbm>>, %arg7: memref<8x20480xf32, #tpu.memory_space<hbm>>, %arg8: memref<8x20480xf32, #tpu.memory_space<hbm>>, %arg9: memref<8x20480xf32, #tpu.memory_space<hbm>>, %arg10: memref<8x20480xf32, #tpu.memory_space<hbm>>, %arg11: memref<8x528xi32, #tpu.memory_space<hbm>>, %arg12: memref<8x528xf32, #tpu.memory_space<hbm>>, %arg13: memref<8x528xf32, #tpu.memory_space<hbm>>, %arg14: memref<8x528xf32, #tpu.memory_space<hbm>>, %arg15: memref<8x528xf32, #tpu.memory_space<hbm>>, %arg16: memref<8x528xf32, #tpu.memory_space<hbm>>, %arg17: memref<8x528xf32, #tpu.memory_space<hbm>>, %arg18: memref<8x528xf32, #tpu.memory_space<hbm>>, %arg19: memref<8x528xf32, #tpu.memory_space<hbm>>, %arg20: memref<20480xf32, #tpu.memory_space<vmem>>, %arg21: memref<20480xf32, #tpu.memory_space<vmem>>, %arg22: memref<20480xf32, #tpu.memory_space<vmem>>, %arg23: memref<528xi32, #tpu.memory_space<vmem>>, %arg24: memref<528xi32, #tpu.memory_space<vmem>>, %arg25: memref<528xf32, #tpu.memory_space<vmem>>, %arg26: memref<4096xi32, #tpu.memory_space<vmem>>, %arg27: memref<!tpu.dma_semaphore, #tpu.memory_space<semaphore_mem>>, %arg28: memref<!tpu.dma_semaphore, #tpu.memory_space<semaphore_mem>>) attributes {dimension_semantics = [#tpu.dimension_semantics<core_parallel>, #tpu.dimension_semantics<subcore_parallel>], iteration_bounds = array<i64: 2, 16>, scalar_prefetch = 0 : i64, scratch_operands = 9 : i64, tpu.core_type = #tpu.core_type<sc_vector_subcore>, window_params = [{transform_indices = #map}, {transform_indices = #map}, {transform_indices = #map}, {transform_indices = #map}, {transform_indices = #map}, {transform_indices = #map}, {transform_indices = #map}, {transform_indices = #map}, {transform_indices = #map}, {transform_indices = #map}, {transform_indices = #map}, {transform_indices = #map}, {transform_indices = #map}, {transform_indices = #map}, {transform_indices = #map}, {transform_indices = #map}, {transform_indices = #map}, {transform_indices = #map}]} {
    %mul3A = arith.constant 2 : i32
    %mul3A_0 = arith.muli %arg1, %mul3A : i32
    %add3A = arith.addi %mul3A_0, %arg0 : i32
    %lt3A = arith.constant 8 : i32
    %lt3A_1 = arith.cmpi slt, %add3A, %lt3A : i32
    %convert_element_type3A = arith.extui %lt3A_1 : i1 to i32
    %cond3A = arith.constant 0 : i32
    %cond3A_2 = arith.cmpi ne, %convert_element_type3A, %cond3A : i32
    scf.if %cond3A_2 {
      "tpu.region"() ({
        %run_scoped3A = tpu.sem_alloc : memref<!tpu.dma_semaphore, #tpu.memory_space<semaphore_mem>>
        %dma_start3A_209 = arith.constant 0 : i32
        %dma_start3A_210 = tpu.memref_slice %arg2[%add3A, %dma_start3A_209] : memref<8x20480xf32, #tpu.memory_space<hbm>> -> memref<1x20480xf32, #tpu.memory_space<hbm>>
        %dma_start3A_211 = tpu.memref_squeeze %dma_start3A_210 : memref<1x20480xf32, #tpu.memory_space<hbm>> -> memref<20480xf32, #tpu.memory_space<hbm>>
        %dma_start3A_212 = arith.constant 0 : i32
        %dma_start3A_213 = tpu.memref_slice %arg2[%add3A, %dma_start3A_212] : memref<8x20480xf32, #tpu.memory_space<hbm>> -> memref<1x20480xf32, #tpu.memory_space<hbm>>
        %dma_start3A_214 = tpu.memref_squeeze %dma_start3A_213 : memref<1x20480xf32, #tpu.memory_space<hbm>> -> memref<20480xf32, #tpu.memory_space<hbm>>
        tpu.enqueue_dma source(%dma_start3A_214 : memref<20480xf32, #tpu.memory_space<hbm>>) target(%arg20 : memref<20480xf32, #tpu.memory_space<vmem>>) target_semaphore(%run_scoped3A : memref<!tpu.dma_semaphore, #tpu.memory_space<semaphore_mem>>)
        %dma_wait3A_215 = arith.constant 0 : i32
        %dma_wait3A_216 = tpu.memref_slice %arg2[%add3A, %dma_wait3A_215] : memref<8x20480xf32, #tpu.memory_space<hbm>> -> memref<1x20480xf32, #tpu.memory_space<hbm>>
        %dma_wait3A_217 = tpu.memref_squeeze %dma_wait3A_216 : memref<1x20480xf32, #tpu.memory_space<hbm>> -> memref<20480xf32, #tpu.memory_space<hbm>>
        %dma_wait3A_218 = arith.constant 0 : i32
        %dma_wait3A_219 = tpu.memref_slice %arg2[%add3A, %dma_wait3A_218] : memref<8x20480xf32, #tpu.memory_space<hbm>> -> memref<1x20480xf32, #tpu.memory_space<hbm>>
        %dma_wait3A_220 = tpu.memref_squeeze %dma_wait3A_219 : memref<1x20480xf32, #tpu.memory_space<hbm>> -> memref<20480xf32, #tpu.memory_space<hbm>>
        tpu.wait_dma2 semaphore(%run_scoped3A : memref<!tpu.dma_semaphore, #tpu.memory_space<semaphore_mem>>) src(%dma_wait3A_220 : memref<20480xf32, #tpu.memory_space<hbm>>) dst(%arg20 : memref<20480xf32, #tpu.memory_space<vmem>>)
        tpu.yield
      }) : () -> ()
      %iota3A = tpu.iota {dimensions = array<i32: 0>} : vector<16xi32>
      %broadcast_in_dim3A = arith.constant 0 : i32
      %broadcast_in_dim3A_3 = vector.broadcast %broadcast_in_dim3A : i32 to vector<16xi32>
      %broadcast_in_dim3A_4 = arith.constant 1 : i32
      %broadcast_in_dim3A_5 = vector.broadcast %broadcast_in_dim3A_4 : i32 to vector<16xi32>
      %scan3A = arith.constant 0 : i32
      %scan3A_6 = arith.constant 0 : i32
      %scan3A_7 = arith.constant 256 : i32
      %scan3A_8 = arith.addi %scan3A_6, %scan3A_7 : i32
      %scan3A_9 = arith.constant 1 : i32
      scf.for %scan3A_209 = %scan3A_6 to %scan3A_8 step %scan3A_9  : i32 {
        %mul3A_210 = arith.constant 16 : i32
        %mul3A_211 = arith.muli %scan3A_209, %mul3A_210 : i32
        %swap3A = arith.index_cast %mul3A_211 : i32 to index
        %swap3A_212 = tpu.vector_load %arg26[%swap3A] {strides = array<i32>} : memref<4096xi32, #tpu.memory_space<vmem>>, vector<16xi32>,
        tpu.vector_store %arg26[%swap3A], %broadcast_in_dim3A_3 {strides = array<i32>} : memref<4096xi32, #tpu.memory_space<vmem>>, vector<16xi32>,
      }
      %scan3A_10 = arith.constant 256 : i32
      %scan3A_11 = arith.constant 0 : i32
      %scan3A_12 = arith.constant 0 : i32
      %scan3A_13 = arith.constant 1250 : i32
      %scan3A_14 = arith.addi %scan3A_12, %scan3A_13 : i32
      %scan3A_15 = arith.constant 1 : i32
      scf.for %scan3A_209 = %scan3A_12 to %scan3A_14 step %scan3A_15  : i32 {
        %mul3A_210 = arith.constant 16 : i32
        %mul3A_211 = arith.muli %scan3A_209, %mul3A_210 : i32
        %get3A = arith.index_cast %mul3A_211 : i32 to index
        %get3A_212 = tpu.vector_load %arg20[%get3A] {strides = array<i32>} : memref<20480xf32, #tpu.memory_space<vmem>>, vector<16xf32>,
        %bitcast3A = vector.bitcast %get3A_212 : vector<16xf32> to vector<16xi32>
        %shift_right_arithmetic3A = arith.constant 23 : i32
        %shift_right_arithmetic3A_213 = vector.broadcast %shift_right_arithmetic3A : i32 to vector<16xi32>
        %shift_right_arithmetic3A_214 = arith.shrsi %bitcast3A, %shift_right_arithmetic3A_213 : vector<16xi32>
        %mul3A_215 = arith.constant 16 : i32
        %mul3A_216 = vector.broadcast %mul3A_215 : i32 to vector<16xi32>
        %mul3A_217 = arith.muli %shift_right_arithmetic3A_214, %mul3A_216 : vector<16xi32>
        %add3A_218 = arith.addi %mul3A_217, %iota3A : vector<16xi32>
        tpu.vector_store_idx %arg26[%add3A_218], %broadcast_in_dim3A_5 {add = true} : memref<4096xi32, #tpu.memory_space<vmem>>[vector<16xi32>], vector<16xi32>,
      }
      %scan3A_16 = arith.constant 1250 : i32
      %scan3A_17 = arith.constant false
      %scan3A_18 = arith.constant 0 : i32
      %scan3A_19 = arith.constant 0 : i32
      %scan3A_20 = arith.constant 0 : i32
      %scan3A_21 = arith.constant 256 : i32
      %scan3A_22 = arith.addi %scan3A_20, %scan3A_21 : i32
      %scan3A_23 = arith.constant 1 : i32
      %scan3A_24:3 = scf.for %scan3A_209 = %scan3A_20 to %scan3A_22 step %scan3A_23 iter_args(%scan3A_210 = %scan3A_17, %scan3A_211 = %scan3A_18, %scan3A_212 = %scan3A_19) -> (i1, i32, i32)  : i32 {
        %sub3A_213 = arith.constant 255 : i32
        %sub3A_214 = arith.subi %sub3A_213, %scan3A_209 : i32
        %mul3A_215 = arith.constant 16 : i32
        %mul3A_216 = arith.muli %sub3A_214, %mul3A_215 : i32
        %get3A = arith.index_cast %mul3A_216 : i32 to index
        %get3A_217 = tpu.vector_load %arg26[%get3A] {strides = array<i32>} : memref<4096xi32, #tpu.memory_space<vmem>>, vector<16xi32>,
        %reduce_sum3A = arith.constant true
        %reduce_sum3A_218 = vector.broadcast %reduce_sum3A : i1 to vector<16xi1>
        %reduce_sum3A_219 = tpu.scan <sum>, %get3A_217 masked %reduce_sum3A_218 : vector<16xi32>, vector<16xi1> -> vector<16xi32>
        %reduce_sum3A_220 = vector.extract %reduce_sum3A_219[15] : i32 from vector<16xi32>
        %not3A = arith.constant true
        %not3A_221 = arith.xori %scan3A_210, %not3A : i1
        %add3A_222 = arith.addi %scan3A_212, %reduce_sum3A_220 : i32
        %gt3A = arith.constant 512 : i32
        %gt3A_223 = arith.cmpi sgt, %add3A_222, %gt3A : i32
        %and3A = arith.andi %not3A_221, %gt3A_223 : i1
        %select_n3A = arith.select %and3A, %sub3A_214, %scan3A_211 : i32
        %or3A = arith.ori %scan3A_210, %and3A : i1
        %add3A_224 = arith.addi %scan3A_212, %reduce_sum3A_220 : i32
        %select_n3A_225 = arith.select %or3A, %scan3A_212, %add3A_224 : i32
        %or3A_226 = arith.ori %scan3A_210, %and3A : i1
        scf.yield %or3A_226, %select_n3A, %select_n3A_225 : i1, i32, i32
      }
      %scan3A_25 = arith.constant 256 : i32
      %scan3A_26 = arith.constant 0 : i32
      %scan3A_27 = arith.constant 0 : i32
      %scan3A_28 = arith.constant 256 : i32
      %scan3A_29 = arith.addi %scan3A_27, %scan3A_28 : i32
      %scan3A_30 = arith.constant 1 : i32
      scf.for %scan3A_209 = %scan3A_27 to %scan3A_29 step %scan3A_30  : i32 {
        %mul3A_210 = arith.constant 16 : i32
        %mul3A_211 = arith.muli %scan3A_209, %mul3A_210 : i32
        %swap3A = arith.index_cast %mul3A_211 : i32 to index
        %swap3A_212 = tpu.vector_load %arg26[%swap3A] {strides = array<i32>} : memref<4096xi32, #tpu.memory_space<vmem>>, vector<16xi32>,
        tpu.vector_store %arg26[%swap3A], %broadcast_in_dim3A_3 {strides = array<i32>} : memref<4096xi32, #tpu.memory_space<vmem>>, vector<16xi32>,
      }
      %scan3A_31 = arith.constant 256 : i32
      %scan3A_32 = arith.constant 0 : i32
      %scan3A_33 = arith.constant 0 : i32
      %scan3A_34 = arith.constant 1250 : i32
      %scan3A_35 = arith.addi %scan3A_33, %scan3A_34 : i32
      %scan3A_36 = arith.constant 1 : i32
      scf.for %scan3A_209 = %scan3A_33 to %scan3A_35 step %scan3A_36  : i32 {
        %mul3A_210 = arith.constant 16 : i32
        %mul3A_211 = arith.muli %scan3A_209, %mul3A_210 : i32
        %get3A = arith.index_cast %mul3A_211 : i32 to index
        %get3A_212 = tpu.vector_load %arg20[%get3A] {strides = array<i32>} : memref<20480xf32, #tpu.memory_space<vmem>>, vector<16xf32>,
        %bitcast3A = vector.bitcast %get3A_212 : vector<16xf32> to vector<16xi32>
        %shift_right_arithmetic3A = arith.constant 23 : i32
        %shift_right_arithmetic3A_213 = vector.broadcast %shift_right_arithmetic3A : i32 to vector<16xi32>
        %shift_right_arithmetic3A_214 = arith.shrsi %bitcast3A, %shift_right_arithmetic3A_213 : vector<16xi32>
        %shift_right_arithmetic3A_215 = arith.constant 15 : i32
        %shift_right_arithmetic3A_216 = vector.broadcast %shift_right_arithmetic3A_215 : i32 to vector<16xi32>
        %shift_right_arithmetic3A_217 = arith.shrsi %bitcast3A, %shift_right_arithmetic3A_216 : vector<16xi32>
        %and3A = arith.constant 255 : i32
        %and3A_218 = vector.broadcast %and3A : i32 to vector<16xi32>
        %and3A_219 = arith.andi %shift_right_arithmetic3A_217, %and3A_218 : vector<16xi32>
        %mul3A_220 = arith.constant 16 : i32
        %mul3A_221 = vector.broadcast %mul3A_220 : i32 to vector<16xi32>
        %mul3A_222 = arith.muli %and3A_219, %mul3A_221 : vector<16xi32>
        %add3A_223 = arith.addi %mul3A_222, %iota3A : vector<16xi32>
        %eq3A = vector.broadcast %scan3A_24#1 : i32 to vector<16xi32>
        %eq3A_224 = arith.cmpi eq, %shift_right_arithmetic3A_214, %eq3A : vector<16xi32>
        tpu.vector_store_idx %arg26[%add3A_223], %broadcast_in_dim3A_5 masked %eq3A_224 {add = true} : memref<4096xi32, #tpu.memory_space<vmem>>[vector<16xi32>], vector<16xi32>, vector<16xi1>
      }
      %scan3A_37 = arith.constant 1250 : i32
      %sub3A = arith.constant 512 : i32
      %sub3A_38 = arith.subi %sub3A, %scan3A_24#2 : i32
      %scan3A_39 = arith.constant false
      %scan3A_40 = arith.constant -1 : i32
      %scan3A_41 = arith.constant 0 : i32
      %scan3A_42 = arith.constant 0 : i32
      %scan3A_43 = arith.constant 256 : i32
      %scan3A_44 = arith.addi %scan3A_42, %scan3A_43 : i32
      %scan3A_45 = arith.constant 1 : i32
      %scan3A_46:3 = scf.for %scan3A_209 = %scan3A_42 to %scan3A_44 step %scan3A_45 iter_args(%scan3A_210 = %scan3A_39, %scan3A_211 = %scan3A_40, %scan3A_212 = %scan3A_41) -> (i1, i32, i32)  : i32 {
        %sub3A_213 = arith.constant 255 : i32
        %sub3A_214 = arith.subi %sub3A_213, %scan3A_209 : i32
        %mul3A_215 = arith.constant 16 : i32
        %mul3A_216 = arith.muli %sub3A_214, %mul3A_215 : i32
        %get3A = arith.index_cast %mul3A_216 : i32 to index
        %get3A_217 = tpu.vector_load %arg26[%get3A] {strides = array<i32>} : memref<4096xi32, #tpu.memory_space<vmem>>, vector<16xi32>,
        %reduce_sum3A = arith.constant true
        %reduce_sum3A_218 = vector.broadcast %reduce_sum3A : i1 to vector<16xi1>
        %reduce_sum3A_219 = tpu.scan <sum>, %get3A_217 masked %reduce_sum3A_218 : vector<16xi32>, vector<16xi1> -> vector<16xi32>
        %reduce_sum3A_220 = vector.extract %reduce_sum3A_219[15] : i32 from vector<16xi32>
        %not3A = arith.constant true
        %not3A_221 = arith.xori %scan3A_210, %not3A : i1
        %add3A_222 = arith.addi %scan3A_212, %reduce_sum3A_220 : i32
        %gt3A = arith.cmpi sgt, %add3A_222, %sub3A_38 : i32
        %and3A = arith.andi %not3A_221, %gt3A : i1
        %select_n3A = arith.select %and3A, %sub3A_214, %scan3A_211 : i32
        %or3A = arith.ori %scan3A_210, %and3A : i1
        %add3A_223 = arith.addi %scan3A_212, %reduce_sum3A_220 : i32
        %select_n3A_224 = arith.select %or3A, %scan3A_212, %add3A_223 : i32
        %or3A_225 = arith.ori %scan3A_210, %and3A : i1
        scf.yield %or3A_225, %select_n3A, %select_n3A_224 : i1, i32, i32
      }
      %scan3A_47 = arith.constant 256 : i32
      %shift_left3A = arith.constant 23 : i32
      %shift_left3A_48 = arith.shli %scan3A_24#1, %shift_left3A : i32
      %add3A_49 = arith.constant 1 : i32
      %add3A_50 = arith.addi %scan3A_46#1, %add3A_49 : i32
      %shift_left3A_51 = arith.constant 15 : i32
      %shift_left3A_52 = arith.shli %add3A_50, %shift_left3A_51 : i32
      %add3A_53 = arith.addi %shift_left3A_48, %shift_left3A_52 : i32
      %scan3A_54 = arith.constant 0 : i32
      %scan3A_55 = arith.constant 0 : i32
      %scan3A_56 = arith.constant 33 : i32
      %scan3A_57 = arith.addi %scan3A_55, %scan3A_56 : i32
      %scan3A_58 = arith.constant 1 : i32
      scf.for %scan3A_209 = %scan3A_55 to %scan3A_57 step %scan3A_58  : i32 {
        %broadcast_in_dim3A_210 = arith.constant -1 : i32
        %broadcast_in_dim3A_211 = vector.broadcast %broadcast_in_dim3A_210 : i32 to vector<16xi32>
        %mul3A_212 = arith.constant 16 : i32
        %mul3A_213 = arith.muli %scan3A_209, %mul3A_212 : i32
        %swap3A = arith.index_cast %mul3A_213 : i32 to index
        %swap3A_214 = tpu.vector_load %arg23[%swap3A] {strides = array<i32>} : memref<528xi32, #tpu.memory_space<vmem>>, vector<16xi32>,
        tpu.vector_store %arg23[%swap3A], %broadcast_in_dim3A_211 {strides = array<i32>} : memref<528xi32, #tpu.memory_space<vmem>>, vector<16xi32>,
        %mul3A_215 = arith.constant 16 : i32
        %mul3A_216 = arith.muli %scan3A_209, %mul3A_215 : i32
        %swap3A_217 = arith.index_cast %mul3A_216 : i32 to index
        %swap3A_218 = tpu.vector_load %arg24[%swap3A_217] {strides = array<i32>} : memref<528xi32, #tpu.memory_space<vmem>>, vector<16xi32>,
        tpu.vector_store %arg24[%swap3A_217], %broadcast_in_dim3A_3 {strides = array<i32>} : memref<528xi32, #tpu.memory_space<vmem>>, vector<16xi32>,
      }
      %scan3A_59 = arith.constant 33 : i32
      %scan3A_60 = arith.constant 0 : i32
      %scan3A_61 = arith.constant 0 : i32
      %scan3A_62 = arith.constant 1250 : i32
      %scan3A_63 = arith.addi %scan3A_61, %scan3A_62 : i32
      %scan3A_64 = arith.constant 1 : i32
      %scan3A_65 = scf.for %scan3A_209 = %scan3A_61 to %scan3A_63 step %scan3A_64 iter_args(%scan3A_210 = %scan3A_60) -> (i32)  : i32 {
        %mul3A_211 = arith.constant 16 : i32
        %mul3A_212 = arith.muli %scan3A_209, %mul3A_211 : i32
        %get3A = arith.index_cast %mul3A_212 : i32 to index
        %get3A_213 = tpu.vector_load %arg20[%get3A] {strides = array<i32>} : memref<20480xf32, #tpu.memory_space<vmem>>, vector<16xf32>,
        %bitcast3A = vector.bitcast %get3A_213 : vector<16xf32> to vector<16xi32>
        %ge3A = vector.broadcast %add3A_53 : i32 to vector<16xi32>
        %ge3A_214 = arith.cmpi sge, %bitcast3A, %ge3A : vector<16xi32>
        %swap3A = arith.index_cast %scan3A_210 : i32 to index
        %swap3A_215 = tpu.vector_load %arg23[%swap3A] masked %ge3A_214 {strides = array<i32>} : memref<528xi32, #tpu.memory_space<vmem>>, vector<16xi32>, vector<16xi1>
        tpu.vector_store %arg23[%swap3A], %bitcast3A masked %ge3A_214 {strides = array<i32>} : memref<528xi32, #tpu.memory_space<vmem>>, vector<16xi32>, vector<16xi1>
        %mul3A_216 = arith.constant 16 : i32
        %mul3A_217 = arith.muli %scan3A_209, %mul3A_216 : i32
        %add3A_218 = vector.broadcast %mul3A_217 : i32 to vector<16xi32>
        %add3A_219 = arith.addi %add3A_218, %iota3A : vector<16xi32>
        %swap3A_220 = arith.index_cast %scan3A_210 : i32 to index
        %swap3A_221 = tpu.vector_load %arg24[%swap3A_220] masked %ge3A_214 {strides = array<i32>} : memref<528xi32, #tpu.memory_space<vmem>>, vector<16xi32>, vector<16xi1>
        tpu.vector_store %arg24[%swap3A_220], %add3A_219 masked %ge3A_214 {strides = array<i32>} : memref<528xi32, #tpu.memory_space<vmem>>, vector<16xi32>, vector<16xi1>
        %jit3A = arith.constant 1 : i32
        %jit3A_222 = arith.constant 0 : i32
        %broadcast_in_dim3A_223 = vector.broadcast %jit3A : i32 to vector<16xi32>
        %broadcast_in_dim3A_224 = vector.broadcast %jit3A_222 : i32 to vector<16xi32>
        %select_n3A = arith.select %ge3A_214, %broadcast_in_dim3A_223, %broadcast_in_dim3A_224 : vector<16xi1>, vector<16xi32>
        %reduce_sum3A = arith.constant true
        %reduce_sum3A_225 = vector.broadcast %reduce_sum3A : i1 to vector<16xi1>
        %reduce_sum3A_226 = tpu.scan <sum>, %select_n3A masked %reduce_sum3A_225 : vector<16xi32>, vector<16xi1> -> vector<16xi32>
        %reduce_sum3A_227 = vector.extract %reduce_sum3A_226[15] : i32 from vector<16xi32>
        %add3A_228 = arith.addi %scan3A_210, %reduce_sum3A_227 : i32
        scf.yield %add3A_228 : i32
      }
      %scan3A_66 = arith.constant 1250 : i32
      "tpu.region"() ({
        %run_scoped3A = tpu.sem_alloc : memref<!tpu.dma_semaphore, #tpu.memory_space<semaphore_mem>>
        %dma_start3A_209 = arith.constant 0 : i32
        %dma_start3A_210 = tpu.memref_slice %arg11[%add3A, %dma_start3A_209] : memref<8x528xi32, #tpu.memory_space<hbm>> -> memref<1x528xi32, #tpu.memory_space<hbm>>
        %dma_start3A_211 = tpu.memref_squeeze %dma_start3A_210 : memref<1x528xi32, #tpu.memory_space<hbm>> -> memref<528xi32, #tpu.memory_space<hbm>>
        %dma_start3A_212 = arith.constant 0 : i32
        %dma_start3A_213 = tpu.memref_slice %arg11[%add3A, %dma_start3A_212] : memref<8x528xi32, #tpu.memory_space<hbm>> -> memref<1x528xi32, #tpu.memory_space<hbm>>
        %dma_start3A_214 = tpu.memref_squeeze %dma_start3A_213 : memref<1x528xi32, #tpu.memory_space<hbm>> -> memref<528xi32, #tpu.memory_space<hbm>>
        tpu.enqueue_dma source(%arg23 : memref<528xi32, #tpu.memory_space<vmem>>) target(%dma_start3A_214 : memref<528xi32, #tpu.memory_space<hbm>>) target_semaphore(%run_scoped3A : memref<!tpu.dma_semaphore, #tpu.memory_space<semaphore_mem>>)
        %dma_wait3A_215 = arith.constant 0 : i32
        %dma_wait3A_216 = tpu.memref_slice %arg11[%add3A, %dma_wait3A_215] : memref<8x528xi32, #tpu.memory_space<hbm>> -> memref<1x528xi32, #tpu.memory_space<hbm>>
        %dma_wait3A_217 = tpu.memref_squeeze %dma_wait3A_216 : memref<1x528xi32, #tpu.memory_space<hbm>> -> memref<528xi32, #tpu.memory_space<hbm>>
        %dma_wait3A_218 = arith.constant 0 : i32
        %dma_wait3A_219 = tpu.memref_slice %arg11[%add3A, %dma_wait3A_218] : memref<8x528xi32, #tpu.memory_space<hbm>> -> memref<1x528xi32, #tpu.memory_space<hbm>>
        %dma_wait3A_220 = tpu.memref_squeeze %dma_wait3A_219 : memref<1x528xi32, #tpu.memory_space<hbm>> -> memref<528xi32, #tpu.memory_space<hbm>>
        tpu.wait_dma2 semaphore(%run_scoped3A : memref<!tpu.dma_semaphore, #tpu.memory_space<semaphore_mem>>) src(%arg23 : memref<528xi32, #tpu.memory_space<vmem>>) dst(%dma_wait3A_220 : memref<528xi32, #tpu.memory_space<hbm>>)
        tpu.yield
      }) : () -> ()
      %dma_start3A = arith.constant 0 : i32
      %dma_start3A_67 = tpu.memref_slice %arg3[%add3A, %dma_start3A] : memref<8x20480xf32, #tpu.memory_space<hbm>> -> memref<1x20480xf32, #tpu.memory_space<hbm>>
      %dma_start3A_68 = tpu.memref_squeeze %dma_start3A_67 : memref<1x20480xf32, #tpu.memory_space<hbm>> -> memref<20480xf32, #tpu.memory_space<hbm>>
      %dma_start3A_69 = arith.constant 0 : i32
      %dma_start3A_70 = tpu.memref_slice %arg3[%add3A, %dma_start3A_69] : memref<8x20480xf32, #tpu.memory_space<hbm>> -> memref<1x20480xf32, #tpu.memory_space<hbm>>
      %dma_start3A_71 = tpu.memref_squeeze %dma_start3A_70 : memref<1x20480xf32, #tpu.memory_space<hbm>> -> memref<20480xf32, #tpu.memory_space<hbm>>
      tpu.enqueue_dma source(%dma_start3A_71 : memref<20480xf32, #tpu.memory_space<hbm>>) target(%arg21 : memref<20480xf32, #tpu.memory_space<vmem>>) target_semaphore(%arg27 : memref<!tpu.dma_semaphore, #tpu.memory_space<semaphore_mem>>)
      %dma_start3A_72 = arith.constant 0 : i32
      %dma_start3A_73 = tpu.memref_slice %arg4[%add3A, %dma_start3A_72] : memref<8x20480xf32, #tpu.memory_space<hbm>> -> memref<1x20480xf32, #tpu.memory_space<hbm>>
      %dma_start3A_74 = tpu.memref_squeeze %dma_start3A_73 : memref<1x20480xf32, #tpu.memory_space<hbm>> -> memref<20480xf32, #tpu.memory_space<hbm>>
      %dma_start3A_75 = arith.constant 0 : i32
      %dma_start3A_76 = tpu.memref_slice %arg4[%add3A, %dma_start3A_75] : memref<8x20480xf32, #tpu.memory_space<hbm>> -> memref<1x20480xf32, #tpu.memory_space<hbm>>
      %dma_start3A_77 = tpu.memref_squeeze %dma_start3A_76 : memref<1x20480xf32, #tpu.memory_space<hbm>> -> memref<20480xf32, #tpu.memory_space<hbm>>
      tpu.enqueue_dma source(%dma_start3A_77 : memref<20480xf32, #tpu.memory_space<hbm>>) target(%arg22 : memref<20480xf32, #tpu.memory_space<vmem>>) target_semaphore(%arg28 : memref<!tpu.dma_semaphore, #tpu.memory_space<semaphore_mem>>)
      %dma_wait3A = arith.constant 0 : i32
      %dma_wait3A_78 = tpu.memref_slice %arg3[%add3A, %dma_wait3A] : memref<8x20480xf32, #tpu.memory_space<hbm>> -> memref<1x20480xf32, #tpu.memory_space<hbm>>
      %dma_wait3A_79 = tpu.memref_squeeze %dma_wait3A_78 : memref<1x20480xf32, #tpu.memory_space<hbm>> -> memref<20480xf32, #tpu.memory_space<hbm>>
      %dma_wait3A_80 = arith.constant 0 : i32
      %dma_wait3A_81 = tpu.memref_slice %arg3[%add3A, %dma_wait3A_80] : memref<8x20480xf32, #tpu.memory_space<hbm>> -> memref<1x20480xf32, #tpu.memory_space<hbm>>
      %dma_wait3A_82 = tpu.memref_squeeze %dma_wait3A_81 : memref<1x20480xf32, #tpu.memory_space<hbm>> -> memref<20480xf32, #tpu.memory_space<hbm>>
      tpu.wait_dma2 semaphore(%arg27 : memref<!tpu.dma_semaphore, #tpu.memory_space<semaphore_mem>>) src(%dma_wait3A_82 : memref<20480xf32, #tpu.memory_space<hbm>>) dst(%arg21 : memref<20480xf32, #tpu.memory_space<vmem>>)
      %scan3A_83 = arith.constant 0 : i32
      %scan3A_84 = arith.constant 0 : i32
      %scan3A_85 = arith.constant 33 : i32
      %scan3A_86 = arith.addi %scan3A_84, %scan3A_85 : i32
      %scan3A_87 = arith.constant 1 : i32
      scf.for %scan3A_209 = %scan3A_84 to %scan3A_86 step %scan3A_87  : i32 {
        %mul3A_210 = arith.constant 16 : i32
        %mul3A_211 = arith.muli %scan3A_209, %mul3A_210 : i32
        %get3A = arith.index_cast %mul3A_211 : i32 to index
        %get3A_212 = tpu.vector_load %arg24[%get3A] {strides = array<i32>} : memref<528xi32, #tpu.memory_space<vmem>>, vector<16xi32>,
        %gather3A = tpu.vector_load_idx %arg21[%get3A_212] : memref<20480xf32, #tpu.memory_space<vmem>>[vector<16xi32>], vector<16xf32>,
        %mul3A_213 = arith.constant 16 : i32
        %mul3A_214 = arith.muli %scan3A_209, %mul3A_213 : i32
        %swap3A = arith.index_cast %mul3A_214 : i32 to index
        %swap3A_215 = tpu.vector_load %arg25[%swap3A] {strides = array<i32>} : memref<528xf32, #tpu.memory_space<vmem>>, vector<16xf32>,
        tpu.vector_store %arg25[%swap3A], %gather3A {strides = array<i32>} : memref<528xf32, #tpu.memory_space<vmem>>, vector<16xf32>,
      }
      %scan3A_88 = arith.constant 33 : i32
      "tpu.region"() ({
        %run_scoped3A = tpu.sem_alloc : memref<!tpu.dma_semaphore, #tpu.memory_space<semaphore_mem>>
        %dma_start3A_209 = arith.constant 0 : i32
        %dma_start3A_210 = tpu.memref_slice %arg12[%add3A, %dma_start3A_209] : memref<8x528xf32, #tpu.memory_space<hbm>> -> memref<1x528xf32, #tpu.memory_space<hbm>>
        %dma_start3A_211 = tpu.memref_squeeze %dma_start3A_210 : memref<1x528xf32, #tpu.memory_space<hbm>> -> memref<528xf32, #tpu.memory_space<hbm>>
        %dma_start3A_212 = arith.constant 0 : i32
        %dma_start3A_213 = tpu.memref_slice %arg12[%add3A, %dma_start3A_212] : memref<8x528xf32, #tpu.memory_space<hbm>> -> memref<1x528xf32, #tpu.memory_space<hbm>>
        %dma_start3A_214 = tpu.memref_squeeze %dma_start3A_213 : memref<1x528xf32, #tpu.memory_space<hbm>> -> memref<528xf32, #tpu.memory_space<hbm>>
        tpu.enqueue_dma source(%arg25 : memref<528xf32, #tpu.memory_space<vmem>>) target(%dma_start3A_214 : memref<528xf32, #tpu.memory_space<hbm>>) target_semaphore(%run_scoped3A : memref<!tpu.dma_semaphore, #tpu.memory_space<semaphore_mem>>)
        %dma_wait3A_215 = arith.constant 0 : i32
        %dma_wait3A_216 = tpu.memref_slice %arg12[%add3A, %dma_wait3A_215] : memref<8x528xf32, #tpu.memory_space<hbm>> -> memref<1x528xf32, #tpu.memory_space<hbm>>
        %dma_wait3A_217 = tpu.memref_squeeze %dma_wait3A_216 : memref<1x528xf32, #tpu.memory_space<hbm>> -> memref<528xf32, #tpu.memory_space<hbm>>
        %dma_wait3A_218 = arith.constant 0 : i32
        %dma_wait3A_219 = tpu.memref_slice %arg12[%add3A, %dma_wait3A_218] : memref<8x528xf32, #tpu.memory_space<hbm>> -> memref<1x528xf32, #tpu.memory_space<hbm>>
        %dma_wait3A_220 = tpu.memref_squeeze %dma_wait3A_219 : memref<1x528xf32, #tpu.memory_space<hbm>> -> memref<528xf32, #tpu.memory_space<hbm>>
        tpu.wait_dma2 semaphore(%run_scoped3A : memref<!tpu.dma_semaphore, #tpu.memory_space<semaphore_mem>>) src(%arg25 : memref<528xf32, #tpu.memory_space<vmem>>) dst(%dma_wait3A_220 : memref<528xf32, #tpu.memory_space<hbm>>)
        tpu.yield
      }) : () -> ()
      %dma_start3A_89 = arith.constant 0 : i32
      %dma_start3A_90 = tpu.memref_slice %arg5[%add3A, %dma_start3A_89] : memref<8x20480xf32, #tpu.memory_space<hbm>> -> memref<1x20480xf32, #tpu.memory_space<hbm>>
      %dma_start3A_91 = tpu.memref_squeeze %dma_start3A_90 : memref<1x20480xf32, #tpu.memory_space<hbm>> -> memref<20480xf32, #tpu.memory_space<hbm>>
      %dma_start3A_92 = arith.constant 0 : i32
      %dma_start3A_93 = tpu.memref_slice %arg5[%add3A, %dma_start3A_92] : memref<8x20480xf32, #tpu.memory_space<hbm>> -> memref<1x20480xf32, #tpu.memory_space<hbm>>
      %dma_start3A_94 = tpu.memref_squeeze %dma_start3A_93 : memref<1x20480xf32, #tpu.memory_space<hbm>> -> memref<20480xf32, #tpu.memory_space<hbm>>
      tpu.enqueue_dma source(%dma_start3A_94 : memref<20480xf32, #tpu.memory_space<hbm>>) target(%arg21 : memref<20480xf32, #tpu.memory_space<vmem>>) target_semaphore(%arg27 : memref<!tpu.dma_semaphore, #tpu.memory_space<semaphore_mem>>)
      %dma_wait3A_95 = arith.constant 0 : i32
      %dma_wait3A_96 = tpu.memref_slice %arg4[%add3A, %dma_wait3A_95] : memref<8x20480xf32, #tpu.memory_space<hbm>> -> memref<1x20480xf32, #tpu.memory_space<hbm>>
      %dma_wait3A_97 = tpu.memref_squeeze %dma_wait3A_96 : memref<1x20480xf32, #tpu.memory_space<hbm>> -> memref<20480xf32, #tpu.memory_space<hbm>>
      %dma_wait3A_98 = arith.constant 0 : i32
      %dma_wait3A_99 = tpu.memref_slice %arg4[%add3A, %dma_wait3A_98] : memref<8x20480xf32, #tpu.memory_space<hbm>> -> memref<1x20480xf32, #tpu.memory_space<hbm>>
      %dma_wait3A_100 = tpu.memref_squeeze %dma_wait3A_99 : memref<1x20480xf32, #tpu.memory_space<hbm>> -> memref<20480xf32, #tpu.memory_space<hbm>>
      tpu.wait_dma2 semaphore(%arg28 : memref<!tpu.dma_semaphore, #tpu.memory_space<semaphore_mem>>) src(%dma_wait3A_100 : memref<20480xf32, #tpu.memory_space<hbm>>) dst(%arg22 : memref<20480xf32, #tpu.memory_space<vmem>>)
      %scan3A_101 = arith.constant 0 : i32
      %scan3A_102 = arith.constant 0 : i32
      %scan3A_103 = arith.constant 33 : i32
      %scan3A_104 = arith.addi %scan3A_102, %scan3A_103 : i32
      %scan3A_105 = arith.constant 1 : i32
      scf.for %scan3A_209 = %scan3A_102 to %scan3A_104 step %scan3A_105  : i32 {
        %mul3A_210 = arith.constant 16 : i32
        %mul3A_211 = arith.muli %scan3A_209, %mul3A_210 : i32
        %get3A = arith.index_cast %mul3A_211 : i32 to index
        %get3A_212 = tpu.vector_load %arg24[%get3A] {strides = array<i32>} : memref<528xi32, #tpu.memory_space<vmem>>, vector<16xi32>,
        %gather3A = tpu.vector_load_idx %arg22[%get3A_212] : memref<20480xf32, #tpu.memory_space<vmem>>[vector<16xi32>], vector<16xf32>,
        %mul3A_213 = arith.constant 16 : i32
        %mul3A_214 = arith.muli %scan3A_209, %mul3A_213 : i32
        %swap3A = arith.index_cast %mul3A_214 : i32 to index
        %swap3A_215 = tpu.vector_load %arg25[%swap3A] {strides = array<i32>} : memref<528xf32, #tpu.memory_space<vmem>>, vector<16xf32>,
        tpu.vector_store %arg25[%swap3A], %gather3A {strides = array<i32>} : memref<528xf32, #tpu.memory_space<vmem>>, vector<16xf32>,
      }
      %scan3A_106 = arith.constant 33 : i32
      "tpu.region"() ({
        %run_scoped3A = tpu.sem_alloc : memref<!tpu.dma_semaphore, #tpu.memory_space<semaphore_mem>>
        %dma_start3A_209 = arith.constant 0 : i32
        %dma_start3A_210 = tpu.memref_slice %arg13[%add3A, %dma_start3A_209] : memref<8x528xf32, #tpu.memory_space<hbm>> -> memref<1x528xf32, #tpu.memory_space<hbm>>
        %dma_start3A_211 = tpu.memref_squeeze %dma_start3A_210 : memref<1x528xf32, #tpu.memory_space<hbm>> -> memref<528xf32, #tpu.memory_space<hbm>>
        %dma_start3A_212 = arith.constant 0 : i32
        %dma_start3A_213 = tpu.memref_slice %arg13[%add3A, %dma_start3A_212] : memref<8x528xf32, #tpu.memory_space<hbm>> -> memref<1x528xf32, #tpu.memory_space<hbm>>
        %dma_start3A_214 = tpu.memref_squeeze %dma_start3A_213 : memref<1x528xf32, #tpu.memory_space<hbm>> -> memref<528xf32, #tpu.memory_space<hbm>>
        tpu.enqueue_dma source(%arg25 : memref<528xf32, #tpu.memory_space<vmem>>) target(%dma_start3A_214 : memref<528xf32, #tpu.memory_space<hbm>>) target_semaphore(%run_scoped3A : memref<!tpu.dma_semaphore, #tpu.memory_space<semaphore_mem>>)
        %dma_wait3A_215 = arith.constant 0 : i32
        %dma_wait3A_216 = tpu.memref_slice %arg13[%add3A, %dma_wait3A_215] : memref<8x528xf32, #tpu.memory_space<hbm>> -> memref<1x528xf32, #tpu.memory_space<hbm>>
        %dma_wait3A_217 = tpu.memref_squeeze %dma_wait3A_216 : memref<1x528xf32, #tpu.memory_space<hbm>> -> memref<528xf32, #tpu.memory_space<hbm>>
        %dma_wait3A_218 = arith.constant 0 : i32
        %dma_wait3A_219 = tpu.memref_slice %arg13[%add3A, %dma_wait3A_218] : memref<8x528xf32, #tpu.memory_space<hbm>> -> memref<1x528xf32, #tpu.memory_space<hbm>>
        %dma_wait3A_220 = tpu.memref_squeeze %dma_wait3A_219 : memref<1x528xf32, #tpu.memory_space<hbm>> -> memref<528xf32, #tpu.memory_space<hbm>>
        tpu.wait_dma2 semaphore(%run_scoped3A : memref<!tpu.dma_semaphore, #tpu.memory_space<semaphore_mem>>) src(%arg25 : memref<528xf32, #tpu.memory_space<vmem>>) dst(%dma_wait3A_220 : memref<528xf32, #tpu.memory_space<hbm>>)
        tpu.yield
      }) : () -> ()
      %dma_start3A_107 = arith.constant 0 : i32
      %dma_start3A_108 = tpu.memref_slice %arg6[%add3A, %dma_start3A_107] : memref<8x20480xf32, #tpu.memory_space<hbm>> -> memref<1x20480xf32, #tpu.memory_space<hbm>>
      %dma_start3A_109 = tpu.memref_squeeze %dma_start3A_108 : memref<1x20480xf32, #tpu.memory_space<hbm>> -> memref<20480xf32, #tpu.memory_space<hbm>>
      %dma_start3A_110 = arith.constant 0 : i32
      %dma_start3A_111 = tpu.memref_slice %arg6[%add3A, %dma_start3A_110] : memref<8x20480xf32, #tpu.memory_space<hbm>> -> memref<1x20480xf32, #tpu.memory_space<hbm>>
      %dma_start3A_112 = tpu.memref_squeeze %dma_start3A_111 : memref<1x20480xf32, #tpu.memory_space<hbm>> -> memref<20480xf32, #tpu.memory_space<hbm>>
      tpu.enqueue_dma source(%dma_start3A_112 : memref<20480xf32, #tpu.memory_space<hbm>>) target(%arg22 : memref<20480xf32, #tpu.memory_space<vmem>>) target_semaphore(%arg28 : memref<!tpu.dma_semaphore, #tpu.memory_space<semaphore_mem>>)
      %dma_wait3A_113 = arith.constant 0 : i32
      %dma_wait3A_114 = tpu.memref_slice %arg5[%add3A, %dma_wait3A_113] : memref<8x20480xf32, #tpu.memory_space<hbm>> -> memref<1x20480xf32, #tpu.memory_space<hbm>>
      %dma_wait3A_115 = tpu.memref_squeeze %dma_wait3A_114 : memref<1x20480xf32, #tpu.memory_space<hbm>> -> memref<20480xf32, #tpu.memory_space<hbm>>
      %dma_wait3A_116 = arith.constant 0 : i32
      %dma_wait3A_117 = tpu.memref_slice %arg5[%add3A, %dma_wait3A_116] : memref<8x20480xf32, #tpu.memory_space<hbm>> -> memref<1x20480xf32, #tpu.memory_space<hbm>>
      %dma_wait3A_118 = tpu.memref_squeeze %dma_wait3A_117 : memref<1x20480xf32, #tpu.memory_space<hbm>> -> memref<20480xf32, #tpu.memory_space<hbm>>
      tpu.wait_dma2 semaphore(%arg27 : memref<!tpu.dma_semaphore, #tpu.memory_space<semaphore_mem>>) src(%dma_wait3A_118 : memref<20480xf32, #tpu.memory_space<hbm>>) dst(%arg21 : memref<20480xf32, #tpu.memory_space<vmem>>)
      %scan3A_119 = arith.constant 0 : i32
      %scan3A_120 = arith.constant 0 : i32
      %scan3A_121 = arith.constant 33 : i32
      %scan3A_122 = arith.addi %scan3A_120, %scan3A_121 : i32
      %scan3A_123 = arith.constant 1 : i32
      scf.for %scan3A_209 = %scan3A_120 to %scan3A_122 step %scan3A_123  : i32 {
        %mul3A_210 = arith.constant 16 : i32
        %mul3A_211 = arith.muli %scan3A_209, %mul3A_210 : i32
        %get3A = arith.index_cast %mul3A_211 : i32 to index
        %get3A_212 = tpu.vector_load %arg24[%get3A] {strides = array<i32>} : memref<528xi32, #tpu.memory_space<vmem>>, vector<16xi32>,
        %gather3A = tpu.vector_load_idx %arg21[%get3A_212] : memref<20480xf32, #tpu.memory_space<vmem>>[vector<16xi32>], vector<16xf32>,
        %mul3A_213 = arith.constant 16 : i32
        %mul3A_214 = arith.muli %scan3A_209, %mul3A_213 : i32
        %swap3A = arith.index_cast %mul3A_214 : i32 to index
        %swap3A_215 = tpu.vector_load %arg25[%swap3A] {strides = array<i32>} : memref<528xf32, #tpu.memory_space<vmem>>, vector<16xf32>,
        tpu.vector_store %arg25[%swap3A], %gather3A {strides = array<i32>} : memref<528xf32, #tpu.memory_space<vmem>>, vector<16xf32>,
      }
      %scan3A_124 = arith.constant 33 : i32
      "tpu.region"() ({
        %run_scoped3A = tpu.sem_alloc : memref<!tpu.dma_semaphore, #tpu.memory_space<semaphore_mem>>
        %dma_start3A_209 = arith.constant 0 : i32
        %dma_start3A_210 = tpu.memref_slice %arg14[%add3A, %dma_start3A_209] : memref<8x528xf32, #tpu.memory_space<hbm>> -> memref<1x528xf32, #tpu.memory_space<hbm>>
        %dma_start3A_211 = tpu.memref_squeeze %dma_start3A_210 : memref<1x528xf32, #tpu.memory_space<hbm>> -> memref<528xf32, #tpu.memory_space<hbm>>
        %dma_start3A_212 = arith.constant 0 : i32
        %dma_start3A_213 = tpu.memref_slice %arg14[%add3A, %dma_start3A_212] : memref<8x528xf32, #tpu.memory_space<hbm>> -> memref<1x528xf32, #tpu.memory_space<hbm>>
        %dma_start3A_214 = tpu.memref_squeeze %dma_start3A_213 : memref<1x528xf32, #tpu.memory_space<hbm>> -> memref<528xf32, #tpu.memory_space<hbm>>
        tpu.enqueue_dma source(%arg25 : memref<528xf32, #tpu.memory_space<vmem>>) target(%dma_start3A_214 : memref<528xf32, #tpu.memory_space<hbm>>) target_semaphore(%run_scoped3A : memref<!tpu.dma_semaphore, #tpu.memory_space<semaphore_mem>>)
        %dma_wait3A_215 = arith.constant 0 : i32
        %dma_wait3A_216 = tpu.memref_slice %arg14[%add3A, %dma_wait3A_215] : memref<8x528xf32, #tpu.memory_space<hbm>> -> memref<1x528xf32, #tpu.memory_space<hbm>>
        %dma_wait3A_217 = tpu.memref_squeeze %dma_wait3A_216 : memref<1x528xf32, #tpu.memory_space<hbm>> -> memref<528xf32, #tpu.memory_space<hbm>>
        %dma_wait3A_218 = arith.constant 0 : i32
        %dma_wait3A_219 = tpu.memref_slice %arg14[%add3A, %dma_wait3A_218] : memref<8x528xf32, #tpu.memory_space<hbm>> -> memref<1x528xf32, #tpu.memory_space<hbm>>
        %dma_wait3A_220 = tpu.memref_squeeze %dma_wait3A_219 : memref<1x528xf32, #tpu.memory_space<hbm>> -> memref<528xf32, #tpu.memory_space<hbm>>
        tpu.wait_dma2 semaphore(%run_scoped3A : memref<!tpu.dma_semaphore, #tpu.memory_space<semaphore_mem>>) src(%arg25 : memref<528xf32, #tpu.memory_space<vmem>>) dst(%dma_wait3A_220 : memref<528xf32, #tpu.memory_space<hbm>>)
        tpu.yield
      }) : () -> ()
      %dma_start3A_125 = arith.constant 0 : i32
      %dma_start3A_126 = tpu.memref_slice %arg7[%add3A, %dma_start3A_125] : memref<8x20480xf32, #tpu.memory_space<hbm>> -> memref<1x20480xf32, #tpu.memory_space<hbm>>
      %dma_start3A_127 = tpu.memref_squeeze %dma_start3A_126 : memref<1x20480xf32, #tpu.memory_space<hbm>> -> memref<20480xf32, #tpu.memory_space<hbm>>
      %dma_start3A_128 = arith.constant 0 : i32
      %dma_start3A_129 = tpu.memref_slice %arg7[%add3A, %dma_start3A_128] : memref<8x20480xf32, #tpu.memory_space<hbm>> -> memref<1x20480xf32, #tpu.memory_space<hbm>>
      %dma_start3A_130 = tpu.memref_squeeze %dma_start3A_129 : memref<1x20480xf32, #tpu.memory_space<hbm>> -> memref<20480xf32, #tpu.memory_space<hbm>>
      tpu.enqueue_dma source(%dma_start3A_130 : memref<20480xf32, #tpu.memory_space<hbm>>) target(%arg21 : memref<20480xf32, #tpu.memory_space<vmem>>) target_semaphore(%arg27 : memref<!tpu.dma_semaphore, #tpu.memory_space<semaphore_mem>>)
      %dma_wait3A_131 = arith.constant 0 : i32
      %dma_wait3A_132 = tpu.memref_slice %arg6[%add3A, %dma_wait3A_131] : memref<8x20480xf32, #tpu.memory_space<hbm>> -> memref<1x20480xf32, #tpu.memory_space<hbm>>
      %dma_wait3A_133 = tpu.memref_squeeze %dma_wait3A_132 : memref<1x20480xf32, #tpu.memory_space<hbm>> -> memref<20480xf32, #tpu.memory_space<hbm>>
      %dma_wait3A_134 = arith.constant 0 : i32
      %dma_wait3A_135 = tpu.memref_slice %arg6[%add3A, %dma_wait3A_134] : memref<8x20480xf32, #tpu.memory_space<hbm>> -> memref<1x20480xf32, #tpu.memory_space<hbm>>
      %dma_wait3A_136 = tpu.memref_squeeze %dma_wait3A_135 : memref<1x20480xf32, #tpu.memory_space<hbm>> -> memref<20480xf32, #tpu.memory_space<hbm>>
      tpu.wait_dma2 semaphore(%arg28 : memref<!tpu.dma_semaphore, #tpu.memory_space<semaphore_mem>>) src(%dma_wait3A_136 : memref<20480xf32, #tpu.memory_space<hbm>>) dst(%arg22 : memref<20480xf32, #tpu.memory_space<vmem>>)
      %scan3A_137 = arith.constant 0 : i32
      %scan3A_138 = arith.constant 0 : i32
      %scan3A_139 = arith.constant 33 : i32
      %scan3A_140 = arith.addi %scan3A_138, %scan3A_139 : i32
      %scan3A_141 = arith.constant 1 : i32
      scf.for %scan3A_209 = %scan3A_138 to %scan3A_140 step %scan3A_141  : i32 {
        %mul3A_210 = arith.constant 16 : i32
        %mul3A_211 = arith.muli %scan3A_209, %mul3A_210 : i32
        %get3A = arith.index_cast %mul3A_211 : i32 to index
        %get3A_212 = tpu.vector_load %arg24[%get3A] {strides = array<i32>} : memref<528xi32, #tpu.memory_space<vmem>>, vector<16xi32>,
        %gather3A = tpu.vector_load_idx %arg22[%get3A_212] : memref<20480xf32, #tpu.memory_space<vmem>>[vector<16xi32>], vector<16xf32>,
        %mul3A_213 = arith.constant 16 : i32
        %mul3A_214 = arith.muli %scan3A_209, %mul3A_213 : i32
        %swap3A = arith.index_cast %mul3A_214 : i32 to index
        %swap3A_215 = tpu.vector_load %arg25[%swap3A] {strides = array<i32>} : memref<528xf32, #tpu.memory_space<vmem>>, vector<16xf32>,
        tpu.vector_store %arg25[%swap3A], %gather3A {strides = array<i32>} : memref<528xf32, #tpu.memory_space<vmem>>, vector<16xf32>,
      }
      %scan3A_142 = arith.constant 33 : i32
      "tpu.region"() ({
        %run_scoped3A = tpu.sem_alloc : memref<!tpu.dma_semaphore, #tpu.memory_space<semaphore_mem>>
        %dma_start3A_209 = arith.constant 0 : i32
        %dma_start3A_210 = tpu.memref_slice %arg15[%add3A, %dma_start3A_209] : memref<8x528xf32, #tpu.memory_space<hbm>> -> memref<1x528xf32, #tpu.memory_space<hbm>>
        %dma_start3A_211 = tpu.memref_squeeze %dma_start3A_210 : memref<1x528xf32, #tpu.memory_space<hbm>> -> memref<528xf32, #tpu.memory_space<hbm>>
        %dma_start3A_212 = arith.constant 0 : i32
        %dma_start3A_213 = tpu.memref_slice %arg15[%add3A, %dma_start3A_212] : memref<8x528xf32, #tpu.memory_space<hbm>> -> memref<1x528xf32, #tpu.memory_space<hbm>>
        %dma_start3A_214 = tpu.memref_squeeze %dma_start3A_213 : memref<1x528xf32, #tpu.memory_space<hbm>> -> memref<528xf32, #tpu.memory_space<hbm>>
        tpu.enqueue_dma source(%arg25 : memref<528xf32, #tpu.memory_space<vmem>>) target(%dma_start3A_214 : memref<528xf32, #tpu.memory_space<hbm>>) target_semaphore(%run_scoped3A : memref<!tpu.dma_semaphore, #tpu.memory_space<semaphore_mem>>)
        %dma_wait3A_215 = arith.constant 0 : i32
        %dma_wait3A_216 = tpu.memref_slice %arg15[%add3A, %dma_wait3A_215] : memref<8x528xf32, #tpu.memory_space<hbm>> -> memref<1x528xf32, #tpu.memory_space<hbm>>
        %dma_wait3A_217 = tpu.memref_squeeze %dma_wait3A_216 : memref<1x528xf32, #tpu.memory_space<hbm>> -> memref<528xf32, #tpu.memory_space<hbm>>
        %dma_wait3A_218 = arith.constant 0 : i32
        %dma_wait3A_219 = tpu.memref_slice %arg15[%add3A, %dma_wait3A_218] : memref<8x528xf32, #tpu.memory_space<hbm>> -> memref<1x528xf32, #tpu.memory_space<hbm>>
        %dma_wait3A_220 = tpu.memref_squeeze %dma_wait3A_219 : memref<1x528xf32, #tpu.memory_space<hbm>> -> memref<528xf32, #tpu.memory_space<hbm>>
        tpu.wait_dma2 semaphore(%run_scoped3A : memref<!tpu.dma_semaphore, #tpu.memory_space<semaphore_mem>>) src(%arg25 : memref<528xf32, #tpu.memory_space<vmem>>) dst(%dma_wait3A_220 : memref<528xf32, #tpu.memory_space<hbm>>)
        tpu.yield
      }) : () -> ()
      %dma_start3A_143 = arith.constant 0 : i32
      %dma_start3A_144 = tpu.memref_slice %arg8[%add3A, %dma_start3A_143] : memref<8x20480xf32, #tpu.memory_space<hbm>> -> memref<1x20480xf32, #tpu.memory_space<hbm>>
      %dma_start3A_145 = tpu.memref_squeeze %dma_start3A_144 : memref<1x20480xf32, #tpu.memory_space<hbm>> -> memref<20480xf32, #tpu.memory_space<hbm>>
      %dma_start3A_146 = arith.constant 0 : i32
      %dma_start3A_147 = tpu.memref_slice %arg8[%add3A, %dma_start3A_146] : memref<8x20480xf32, #tpu.memory_space<hbm>> -> memref<1x20480xf32, #tpu.memory_space<hbm>>
      %dma_start3A_148 = tpu.memref_squeeze %dma_start3A_147 : memref<1x20480xf32, #tpu.memory_space<hbm>> -> memref<20480xf32, #tpu.memory_space<hbm>>
      tpu.enqueue_dma source(%dma_start3A_148 : memref<20480xf32, #tpu.memory_space<hbm>>) target(%arg22 : memref<20480xf32, #tpu.memory_space<vmem>>) target_semaphore(%arg28 : memref<!tpu.dma_semaphore, #tpu.memory_space<semaphore_mem>>)
      %dma_wait3A_149 = arith.constant 0 : i32
      %dma_wait3A_150 = tpu.memref_slice %arg7[%add3A, %dma_wait3A_149] : memref<8x20480xf32, #tpu.memory_space<hbm>> -> memref<1x20480xf32, #tpu.memory_space<hbm>>
      %dma_wait3A_151 = tpu.memref_squeeze %dma_wait3A_150 : memref<1x20480xf32, #tpu.memory_space<hbm>> -> memref<20480xf32, #tpu.memory_space<hbm>>
      %dma_wait3A_152 = arith.constant 0 : i32
      %dma_wait3A_153 = tpu.memref_slice %arg7[%add3A, %dma_wait3A_152] : memref<8x20480xf32, #tpu.memory_space<hbm>> -> memref<1x20480xf32, #tpu.memory_space<hbm>>
      %dma_wait3A_154 = tpu.memref_squeeze %dma_wait3A_153 : memref<1x20480xf32, #tpu.memory_space<hbm>> -> memref<20480xf32, #tpu.memory_space<hbm>>
      tpu.wait_dma2 semaphore(%arg27 : memref<!tpu.dma_semaphore, #tpu.memory_space<semaphore_mem>>) src(%dma_wait3A_154 : memref<20480xf32, #tpu.memory_space<hbm>>) dst(%arg21 : memref<20480xf32, #tpu.memory_space<vmem>>)
      %scan3A_155 = arith.constant 0 : i32
      %scan3A_156 = arith.constant 0 : i32
      %scan3A_157 = arith.constant 33 : i32
      %scan3A_158 = arith.addi %scan3A_156, %scan3A_157 : i32
      %scan3A_159 = arith.constant 1 : i32
      scf.for %scan3A_209 = %scan3A_156 to %scan3A_158 step %scan3A_159  : i32 {
        %mul3A_210 = arith.constant 16 : i32
        %mul3A_211 = arith.muli %scan3A_209, %mul3A_210 : i32
        %get3A = arith.index_cast %mul3A_211 : i32 to index
        %get3A_212 = tpu.vector_load %arg24[%get3A] {strides = array<i32>} : memref<528xi32, #tpu.memory_space<vmem>>, vector<16xi32>,
        %gather3A = tpu.vector_load_idx %arg21[%get3A_212] : memref<20480xf32, #tpu.memory_space<vmem>>[vector<16xi32>], vector<16xf32>,
        %mul3A_213 = arith.constant 16 : i32
        %mul3A_214 = arith.muli %scan3A_209, %mul3A_213 : i32
        %swap3A = arith.index_cast %mul3A_214 : i32 to index
        %swap3A_215 = tpu.vector_load %arg25[%swap3A] {strides = array<i32>} : memref<528xf32, #tpu.memory_space<vmem>>, vector<16xf32>,
        tpu.vector_store %arg25[%swap3A], %gather3A {strides = array<i32>} : memref<528xf32, #tpu.memory_space<vmem>>, vector<16xf32>,
      }
      %scan3A_160 = arith.constant 33 : i32
      "tpu.region"() ({
        %run_scoped3A = tpu.sem_alloc : memref<!tpu.dma_semaphore, #tpu.memory_space<semaphore_mem>>
        %dma_start3A_209 = arith.constant 0 : i32
        %dma_start3A_210 = tpu.memref_slice %arg16[%add3A, %dma_start3A_209] : memref<8x528xf32, #tpu.memory_space<hbm>> -> memref<1x528xf32, #tpu.memory_space<hbm>>
        %dma_start3A_211 = tpu.memref_squeeze %dma_start3A_210 : memref<1x528xf32, #tpu.memory_space<hbm>> -> memref<528xf32, #tpu.memory_space<hbm>>
        %dma_start3A_212 = arith.constant 0 : i32
        %dma_start3A_213 = tpu.memref_slice %arg16[%add3A, %dma_start3A_212] : memref<8x528xf32, #tpu.memory_space<hbm>> -> memref<1x528xf32, #tpu.memory_space<hbm>>
        %dma_start3A_214 = tpu.memref_squeeze %dma_start3A_213 : memref<1x528xf32, #tpu.memory_space<hbm>> -> memref<528xf32, #tpu.memory_space<hbm>>
        tpu.enqueue_dma source(%arg25 : memref<528xf32, #tpu.memory_space<vmem>>) target(%dma_start3A_214 : memref<528xf32, #tpu.memory_space<hbm>>) target_semaphore(%run_scoped3A : memref<!tpu.dma_semaphore, #tpu.memory_space<semaphore_mem>>)
        %dma_wait3A_215 = arith.constant 0 : i32
        %dma_wait3A_216 = tpu.memref_slice %arg16[%add3A, %dma_wait3A_215] : memref<8x528xf32, #tpu.memory_space<hbm>> -> memref<1x528xf32, #tpu.memory_space<hbm>>
        %dma_wait3A_217 = tpu.memref_squeeze %dma_wait3A_216 : memref<1x528xf32, #tpu.memory_space<hbm>> -> memref<528xf32, #tpu.memory_space<hbm>>
        %dma_wait3A_218 = arith.constant 0 : i32
        %dma_wait3A_219 = tpu.memref_slice %arg16[%add3A, %dma_wait3A_218] : memref<8x528xf32, #tpu.memory_space<hbm>> -> memref<1x528xf32, #tpu.memory_space<hbm>>
        %dma_wait3A_220 = tpu.memref_squeeze %dma_wait3A_219 : memref<1x528xf32, #tpu.memory_space<hbm>> -> memref<528xf32, #tpu.memory_space<hbm>>
        tpu.wait_dma2 semaphore(%run_scoped3A : memref<!tpu.dma_semaphore, #tpu.memory_space<semaphore_mem>>) src(%arg25 : memref<528xf32, #tpu.memory_space<vmem>>) dst(%dma_wait3A_220 : memref<528xf32, #tpu.memory_space<hbm>>)
        tpu.yield
      }) : () -> ()
      %dma_start3A_161 = arith.constant 0 : i32
      %dma_start3A_162 = tpu.memref_slice %arg9[%add3A, %dma_start3A_161] : memref<8x20480xf32, #tpu.memory_space<hbm>> -> memref<1x20480xf32, #tpu.memory_space<hbm>>
      %dma_start3A_163 = tpu.memref_squeeze %dma_start3A_162 : memref<1x20480xf32, #tpu.memory_space<hbm>> -> memref<20480xf32, #tpu.memory_space<hbm>>
      %dma_start3A_164 = arith.constant 0 : i32
      %dma_start3A_165 = tpu.memref_slice %arg9[%add3A, %dma_start3A_164] : memref<8x20480xf32, #tpu.memory_space<hbm>> -> memref<1x20480xf32, #tpu.memory_space<hbm>>
      %dma_start3A_166 = tpu.memref_squeeze %dma_start3A_165 : memref<1x20480xf32, #tpu.memory_space<hbm>> -> memref<20480xf32, #tpu.memory_space<hbm>>
      tpu.enqueue_dma source(%dma_start3A_166 : memref<20480xf32, #tpu.memory_space<hbm>>) target(%arg21 : memref<20480xf32, #tpu.memory_space<vmem>>) target_semaphore(%arg27 : memref<!tpu.dma_semaphore, #tpu.memory_space<semaphore_mem>>)
      %dma_wait3A_167 = arith.constant 0 : i32
      %dma_wait3A_168 = tpu.memref_slice %arg8[%add3A, %dma_wait3A_167] : memref<8x20480xf32, #tpu.memory_space<hbm>> -> memref<1x20480xf32, #tpu.memory_space<hbm>>
      %dma_wait3A_169 = tpu.memref_squeeze %dma_wait3A_168 : memref<1x20480xf32, #tpu.memory_space<hbm>> -> memref<20480xf32, #tpu.memory_space<hbm>>
      %dma_wait3A_170 = arith.constant 0 : i32
      %dma_wait3A_171 = tpu.memref_slice %arg8[%add3A, %dma_wait3A_170] : memref<8x20480xf32, #tpu.memory_space<hbm>> -> memref<1x20480xf32, #tpu.memory_space<hbm>>
      %dma_wait3A_172 = tpu.memref_squeeze %dma_wait3A_171 : memref<1x20480xf32, #tpu.memory_space<hbm>> -> memref<20480xf32, #tpu.memory_space<hbm>>
      tpu.wait_dma2 semaphore(%arg28 : memref<!tpu.dma_semaphore, #tpu.memory_space<semaphore_mem>>) src(%dma_wait3A_172 : memref<20480xf32, #tpu.memory_space<hbm>>) dst(%arg22 : memref<20480xf32, #tpu.memory_space<vmem>>)
      %scan3A_173 = arith.constant 0 : i32
      %scan3A_174 = arith.constant 0 : i32
      %scan3A_175 = arith.constant 33 : i32
      %scan3A_176 = arith.addi %scan3A_174, %scan3A_175 : i32
      %scan3A_177 = arith.constant 1 : i32
      scf.for %scan3A_209 = %scan3A_174 to %scan3A_176 step %scan3A_177  : i32 {
        %mul3A_210 = arith.constant 16 : i32
        %mul3A_211 = arith.muli %scan3A_209, %mul3A_210 : i32
        %get3A = arith.index_cast %mul3A_211 : i32 to index
        %get3A_212 = tpu.vector_load %arg24[%get3A] {strides = array<i32>} : memref<528xi32, #tpu.memory_space<vmem>>, vector<16xi32>,
        %gather3A = tpu.vector_load_idx %arg22[%get3A_212] : memref<20480xf32, #tpu.memory_space<vmem>>[vector<16xi32>], vector<16xf32>,
        %mul3A_213 = arith.constant 16 : i32
        %mul3A_214 = arith.muli %scan3A_209, %mul3A_213 : i32
        %swap3A = arith.index_cast %mul3A_214 : i32 to index
        %swap3A_215 = tpu.vector_load %arg25[%swap3A] {strides = array<i32>} : memref<528xf32, #tpu.memory_space<vmem>>, vector<16xf32>,
        tpu.vector_store %arg25[%swap3A], %gather3A {strides = array<i32>} : memref<528xf32, #tpu.memory_space<vmem>>, vector<16xf32>,
      }
      %scan3A_178 = arith.constant 33 : i32
      "tpu.region"() ({
        %run_scoped3A = tpu.sem_alloc : memref<!tpu.dma_semaphore, #tpu.memory_space<semaphore_mem>>
        %dma_start3A_209 = arith.constant 0 : i32
        %dma_start3A_210 = tpu.memref_slice %arg17[%add3A, %dma_start3A_209] : memref<8x528xf32, #tpu.memory_space<hbm>> -> memref<1x528xf32, #tpu.memory_space<hbm>>
        %dma_start3A_211 = tpu.memref_squeeze %dma_start3A_210 : memref<1x528xf32, #tpu.memory_space<hbm>> -> memref<528xf32, #tpu.memory_space<hbm>>
        %dma_start3A_212 = arith.constant 0 : i32
        %dma_start3A_213 = tpu.memref_slice %arg17[%add3A, %dma_start3A_212] : memref<8x528xf32, #tpu.memory_space<hbm>> -> memref<1x528xf32, #tpu.memory_space<hbm>>
        %dma_start3A_214 = tpu.memref_squeeze %dma_start3A_213 : memref<1x528xf32, #tpu.memory_space<hbm>> -> memref<528xf32, #tpu.memory_space<hbm>>
        tpu.enqueue_dma source(%arg25 : memref<528xf32, #tpu.memory_space<vmem>>) target(%dma_start3A_214 : memref<528xf32, #tpu.memory_space<hbm>>) target_semaphore(%run_scoped3A : memref<!tpu.dma_semaphore, #tpu.memory_space<semaphore_mem>>)
        %dma_wait3A_215 = arith.constant 0 : i32
        %dma_wait3A_216 = tpu.memref_slice %arg17[%add3A, %dma_wait3A_215] : memref<8x528xf32, #tpu.memory_space<hbm>> -> memref<1x528xf32, #tpu.memory_space<hbm>>
        %dma_wait3A_217 = tpu.memref_squeeze %dma_wait3A_216 : memref<1x528xf32, #tpu.memory_space<hbm>> -> memref<528xf32, #tpu.memory_space<hbm>>
        %dma_wait3A_218 = arith.constant 0 : i32
        %dma_wait3A_219 = tpu.memref_slice %arg17[%add3A, %dma_wait3A_218] : memref<8x528xf32, #tpu.memory_space<hbm>> -> memref<1x528xf32, #tpu.memory_space<hbm>>
        %dma_wait3A_220 = tpu.memref_squeeze %dma_wait3A_219 : memref<1x528xf32, #tpu.memory_space<hbm>> -> memref<528xf32, #tpu.memory_space<hbm>>
        tpu.wait_dma2 semaphore(%run_scoped3A : memref<!tpu.dma_semaphore, #tpu.memory_space<semaphore_mem>>) src(%arg25 : memref<528xf32, #tpu.memory_space<vmem>>) dst(%dma_wait3A_220 : memref<528xf32, #tpu.memory_space<hbm>>)
        tpu.yield
      }) : () -> ()
      %dma_start3A_179 = arith.constant 0 : i32
      %dma_start3A_180 = tpu.memref_slice %arg10[%add3A, %dma_start3A_179] : memref<8x20480xf32, #tpu.memory_space<hbm>> -> memref<1x20480xf32, #tpu.memory_space<hbm>>
      %dma_start3A_181 = tpu.memref_squeeze %dma_start3A_180 : memref<1x20480xf32, #tpu.memory_space<hbm>> -> memref<20480xf32, #tpu.memory_space<hbm>>
      %dma_start3A_182 = arith.constant 0 : i32
      %dma_start3A_183 = tpu.memref_slice %arg10[%add3A, %dma_start3A_182] : memref<8x20480xf32, #tpu.memory_space<hbm>> -> memref<1x20480xf32, #tpu.memory_space<hbm>>
      %dma_start3A_184 = tpu.memref_squeeze %dma_start3A_183 : memref<1x20480xf32, #tpu.memory_space<hbm>> -> memref<20480xf32, #tpu.memory_space<hbm>>
      tpu.enqueue_dma source(%dma_start3A_184 : memref<20480xf32, #tpu.memory_space<hbm>>) target(%arg22 : memref<20480xf32, #tpu.memory_space<vmem>>) target_semaphore(%arg28 : memref<!tpu.dma_semaphore, #tpu.memory_space<semaphore_mem>>)
      %dma_wait3A_185 = arith.constant 0 : i32
      %dma_wait3A_186 = tpu.memref_slice %arg9[%add3A, %dma_wait3A_185] : memref<8x20480xf32, #tpu.memory_space<hbm>> -> memref<1x20480xf32, #tpu.memory_space<hbm>>
      %dma_wait3A_187 = tpu.memref_squeeze %dma_wait3A_186 : memref<1x20480xf32, #tpu.memory_space<hbm>> -> memref<20480xf32, #tpu.memory_space<hbm>>
      %dma_wait3A_188 = arith.constant 0 : i32
      %dma_wait3A_189 = tpu.memref_slice %arg9[%add3A, %dma_wait3A_188] : memref<8x20480xf32, #tpu.memory_space<hbm>> -> memref<1x20480xf32, #tpu.memory_space<hbm>>
      %dma_wait3A_190 = tpu.memref_squeeze %dma_wait3A_189 : memref<1x20480xf32, #tpu.memory_space<hbm>> -> memref<20480xf32, #tpu.memory_space<hbm>>
      tpu.wait_dma2 semaphore(%arg27 : memref<!tpu.dma_semaphore, #tpu.memory_space<semaphore_mem>>) src(%dma_wait3A_190 : memref<20480xf32, #tpu.memory_space<hbm>>) dst(%arg21 : memref<20480xf32, #tpu.memory_space<vmem>>)
      %scan3A_191 = arith.constant 0 : i32
      %scan3A_192 = arith.constant 0 : i32
      %scan3A_193 = arith.constant 33 : i32
      %scan3A_194 = arith.addi %scan3A_192, %scan3A_193 : i32
      %scan3A_195 = arith.constant 1 : i32
      scf.for %scan3A_209 = %scan3A_192 to %scan3A_194 step %scan3A_195  : i32 {
        %mul3A_210 = arith.constant 16 : i32
        %mul3A_211 = arith.muli %scan3A_209, %mul3A_210 : i32
        %get3A = arith.index_cast %mul3A_211 : i32 to index
        %get3A_212 = tpu.vector_load %arg24[%get3A] {strides = array<i32>} : memref<528xi32, #tpu.memory_space<vmem>>, vector<16xi32>,
        %gather3A = tpu.vector_load_idx %arg21[%get3A_212] : memref<20480xf32, #tpu.memory_space<vmem>>[vector<16xi32>], vector<16xf32>,
        %mul3A_213 = arith.constant 16 : i32
        %mul3A_214 = arith.muli %scan3A_209, %mul3A_213 : i32
        %swap3A = arith.index_cast %mul3A_214 : i32 to index
        %swap3A_215 = tpu.vector_load %arg25[%swap3A] {strides = array<i32>} : memref<528xf32, #tpu.memory_space<vmem>>, vector<16xf32>,
        tpu.vector_store %arg25[%swap3A], %gather3A {strides = array<i32>} : memref<528xf32, #tpu.memory_space<vmem>>, vector<16xf32>,
      }
      %scan3A_196 = arith.constant 33 : i32
      "tpu.region"() ({
        %run_scoped3A = tpu.sem_alloc : memref<!tpu.dma_semaphore, #tpu.memory_space<semaphore_mem>>
        %dma_start3A_209 = arith.constant 0 : i32
        %dma_start3A_210 = tpu.memref_slice %arg18[%add3A, %dma_start3A_209] : memref<8x528xf32, #tpu.memory_space<hbm>> -> memref<1x528xf32, #tpu.memory_space<hbm>>
        %dma_start3A_211 = tpu.memref_squeeze %dma_start3A_210 : memref<1x528xf32, #tpu.memory_space<hbm>> -> memref<528xf32, #tpu.memory_space<hbm>>
        %dma_start3A_212 = arith.constant 0 : i32
        %dma_start3A_213 = tpu.memref_slice %arg18[%add3A, %dma_start3A_212] : memref<8x528xf32, #tpu.memory_space<hbm>> -> memref<1x528xf32, #tpu.memory_space<hbm>>
        %dma_start3A_214 = tpu.memref_squeeze %dma_start3A_213 : memref<1x528xf32, #tpu.memory_space<hbm>> -> memref<528xf32, #tpu.memory_space<hbm>>
        tpu.enqueue_dma source(%arg25 : memref<528xf32, #tpu.memory_space<vmem>>) target(%dma_start3A_214 : memref<528xf32, #tpu.memory_space<hbm>>) target_semaphore(%run_scoped3A : memref<!tpu.dma_semaphore, #tpu.memory_space<semaphore_mem>>)
        %dma_wait3A_215 = arith.constant 0 : i32
        %dma_wait3A_216 = tpu.memref_slice %arg18[%add3A, %dma_wait3A_215] : memref<8x528xf32, #tpu.memory_space<hbm>> -> memref<1x528xf32, #tpu.memory_space<hbm>>
        %dma_wait3A_217 = tpu.memref_squeeze %dma_wait3A_216 : memref<1x528xf32, #tpu.memory_space<hbm>> -> memref<528xf32, #tpu.memory_space<hbm>>
        %dma_wait3A_218 = arith.constant 0 : i32
        %dma_wait3A_219 = tpu.memref_slice %arg18[%add3A, %dma_wait3A_218] : memref<8x528xf32, #tpu.memory_space<hbm>> -> memref<1x528xf32, #tpu.memory_space<hbm>>
        %dma_wait3A_220 = tpu.memref_squeeze %dma_wait3A_219 : memref<1x528xf32, #tpu.memory_space<hbm>> -> memref<528xf32, #tpu.memory_space<hbm>>
        tpu.wait_dma2 semaphore(%run_scoped3A : memref<!tpu.dma_semaphore, #tpu.memory_space<semaphore_mem>>) src(%arg25 : memref<528xf32, #tpu.memory_space<vmem>>) dst(%dma_wait3A_220 : memref<528xf32, #tpu.memory_space<hbm>>)
        tpu.yield
      }) : () -> ()
      %dma_wait3A_197 = arith.constant 0 : i32
      %dma_wait3A_198 = tpu.memref_slice %arg10[%add3A, %dma_wait3A_197] : memref<8x20480xf32, #tpu.memory_space<hbm>> -> memref<1x20480xf32, #tpu.memory_space<hbm>>
      %dma_wait3A_199 = tpu.memref_squeeze %dma_wait3A_198 : memref<1x20480xf32, #tpu.memory_space<hbm>> -> memref<20480xf32, #tpu.memory_space<hbm>>
      %dma_wait3A_200 = arith.constant 0 : i32
      %dma_wait3A_201 = tpu.memref_slice %arg10[%add3A, %dma_wait3A_200] : memref<8x20480xf32, #tpu.memory_space<hbm>> -> memref<1x20480xf32, #tpu.memory_space<hbm>>
      %dma_wait3A_202 = tpu.memref_squeeze %dma_wait3A_201 : memref<1x20480xf32, #tpu.memory_space<hbm>> -> memref<20480xf32, #tpu.memory_space<hbm>>
      tpu.wait_dma2 semaphore(%arg28 : memref<!tpu.dma_semaphore, #tpu.memory_space<semaphore_mem>>) src(%dma_wait3A_202 : memref<20480xf32, #tpu.memory_space<hbm>>) dst(%arg22 : memref<20480xf32, #tpu.memory_space<vmem>>)
      %scan3A_203 = arith.constant 0 : i32
      %scan3A_204 = arith.constant 0 : i32
      %scan3A_205 = arith.constant 33 : i32
      %scan3A_206 = arith.addi %scan3A_204, %scan3A_205 : i32
      %scan3A_207 = arith.constant 1 : i32
      scf.for %scan3A_209 = %scan3A_204 to %scan3A_206 step %scan3A_207  : i32 {
        %mul3A_210 = arith.constant 16 : i32
        %mul3A_211 = arith.muli %scan3A_209, %mul3A_210 : i32
        %get3A = arith.index_cast %mul3A_211 : i32 to index
        %get3A_212 = tpu.vector_load %arg24[%get3A] {strides = array<i32>} : memref<528xi32, #tpu.memory_space<vmem>>, vector<16xi32>,
        %gather3A = tpu.vector_load_idx %arg22[%get3A_212] : memref<20480xf32, #tpu.memory_space<vmem>>[vector<16xi32>], vector<16xf32>,
        %mul3A_213 = arith.constant 16 : i32
        %mul3A_214 = arith.muli %scan3A_209, %mul3A_213 : i32
        %swap3A = arith.index_cast %mul3A_214 : i32 to index
        %swap3A_215 = tpu.vector_load %arg25[%swap3A] {strides = array<i32>} : memref<528xf32, #tpu.memory_space<vmem>>, vector<16xf32>,
        tpu.vector_store %arg25[%swap3A], %gather3A {strides = array<i32>} : memref<528xf32, #tpu.memory_space<vmem>>, vector<16xf32>,
      }
      %scan3A_208 = arith.constant 33 : i32
      "tpu.region"() ({
        %run_scoped3A = tpu.sem_alloc : memref<!tpu.dma_semaphore, #tpu.memory_space<semaphore_mem>>
        %dma_start3A_209 = arith.constant 0 : i32
        %dma_start3A_210 = tpu.memref_slice %arg19[%add3A, %dma_start3A_209] : memref<8x528xf32, #tpu.memory_space<hbm>> -> memref<1x528xf32, #tpu.memory_space<hbm>>
        %dma_start3A_211 = tpu.memref_squeeze %dma_start3A_210 : memref<1x528xf32, #tpu.memory_space<hbm>> -> memref<528xf32, #tpu.memory_space<hbm>>
        %dma_start3A_212 = arith.constant 0 : i32
        %dma_start3A_213 = tpu.memref_slice %arg19[%add3A, %dma_start3A_212] : memref<8x528xf32, #tpu.memory_space<hbm>> -> memref<1x528xf32, #tpu.memory_space<hbm>>
        %dma_start3A_214 = tpu.memref_squeeze %dma_start3A_213 : memref<1x528xf32, #tpu.memory_space<hbm>> -> memref<528xf32, #tpu.memory_space<hbm>>
        tpu.enqueue_dma source(%arg25 : memref<528xf32, #tpu.memory_space<vmem>>) target(%dma_start3A_214 : memref<528xf32, #tpu.memory_space<hbm>>) target_semaphore(%run_scoped3A : memref<!tpu.dma_semaphore, #tpu.memory_space<semaphore_mem>>)
        %dma_wait3A_215 = arith.constant 0 : i32
        %dma_wait3A_216 = tpu.memref_slice %arg19[%add3A, %dma_wait3A_215] : memref<8x528xf32, #tpu.memory_space<hbm>> -> memref<1x528xf32, #tpu.memory_space<hbm>>
        %dma_wait3A_217 = tpu.memref_squeeze %dma_wait3A_216 : memref<1x528xf32, #tpu.memory_space<hbm>> -> memref<528xf32, #tpu.memory_space<hbm>>
        %dma_wait3A_218 = arith.constant 0 : i32
        %dma_wait3A_219 = tpu.memref_slice %arg19[%add3A, %dma_wait3A_218] : memref<8x528xf32, #tpu.memory_space<hbm>> -> memref<1x528xf32, #tpu.memory_space<hbm>>
        %dma_wait3A_220 = tpu.memref_squeeze %dma_wait3A_219 : memref<1x528xf32, #tpu.memory_space<hbm>> -> memref<528xf32, #tpu.memory_space<hbm>>
        tpu.wait_dma2 semaphore(%run_scoped3A : memref<!tpu.dma_semaphore, #tpu.memory_space<semaphore_mem>>) src(%arg25 : memref<528xf32, #tpu.memory_space<vmem>>) dst(%dma_wait3A_220 : memref<528xf32, #tpu.memory_space<hbm>>)
        tpu.yield
      }) : () -> ()
    } else {
    }
    return
  }
}

module attributes {stable_mosaic.version = 14 : i64} {
  func.func @_scan_body(%arg0: memref<8x512xi32, #tpu.memory_space<vmem>>, %arg1: memref<8x512xf32, #tpu.memory_space<vmem>>, %arg2: memref<8x512xf32, #tpu.memory_space<vmem>>, %arg3: memref<8x512xf32, #tpu.memory_space<vmem>>, %arg4: memref<8x512xf32, #tpu.memory_space<vmem>>, %arg5: memref<8x512xf32, #tpu.memory_space<vmem>>, %arg6: memref<8x512xf32, #tpu.memory_space<vmem>>, %arg7: memref<8x512xf32, #tpu.memory_space<vmem>>, %arg8: memref<8x512xf32, #tpu.memory_space<vmem>>, %arg9: memref<8x512xf32, #tpu.memory_space<vmem>>, %arg10: memref<8x512xf32, #tpu.memory_space<vmem>>, %arg11: memref<8x512xf32, #tpu.memory_space<vmem>>, %arg12: memref<8x512xf32, #tpu.memory_space<vmem>>, %arg13: memref<8x128xi32, #tpu.memory_space<vmem>>) attributes {dimension_semantics = [], scalar_prefetch = 0 : i64, scratch_operands = 0 : i64, tpu.core_type = #tpu.core_type<tc>} {
    %get3A = arith.constant 0 : index
    %get3A_0 = arith.constant 0 : index
    %get3A_1 = vector.load %arg4[%get3A, %get3A_0] : memref<8x512xf32, #tpu.memory_space<vmem>>, vector<8x512xf32>
    %get3A_2 = arith.constant 0 : index
    %get3A_3 = arith.constant 0 : index
    %get3A_4 = vector.load %arg2[%get3A_2, %get3A_3] : memref<8x512xf32, #tpu.memory_space<vmem>>, vector<8x512xf32>
    %sub3A = arith.subf %get3A_1, %get3A_4 : vector<8x512xf32>
    %get3A_5 = arith.constant 0 : index
    %get3A_6 = arith.constant 0 : index
    %get3A_7 = vector.load %arg3[%get3A_5, %get3A_6] : memref<8x512xf32, #tpu.memory_space<vmem>>, vector<8x512xf32>
    %get3A_8 = arith.constant 0 : index
    %get3A_9 = arith.constant 0 : index
    %get3A_10 = vector.load %arg1[%get3A_8, %get3A_9] : memref<8x512xf32, #tpu.memory_space<vmem>>, vector<8x512xf32>
    %sub3A_11 = arith.subf %get3A_7, %get3A_10 : vector<8x512xf32>
    %get3A_12 = arith.constant 0 : index
    %get3A_13 = arith.constant 0 : index
    %get3A_14 = vector.load %arg2[%get3A_12, %get3A_13] : memref<8x512xf32, #tpu.memory_space<vmem>>, vector<8x512xf32>
    %mul3A = arith.constant 5.000000e-01 : f32
    %mul3A_15 = vector.broadcast %mul3A : f32 to vector<8x512xf32>
    %mul3A_16 = arith.mulf %mul3A_15, %sub3A : vector<8x512xf32>
    %add3A = arith.addf %get3A_14, %mul3A_16 : vector<8x512xf32>
    %get3A_17 = arith.constant 0 : index
    %get3A_18 = arith.constant 0 : index
    %get3A_19 = vector.load %arg1[%get3A_17, %get3A_18] : memref<8x512xf32, #tpu.memory_space<vmem>>, vector<8x512xf32>
    %mul3A_20 = arith.constant 5.000000e-01 : f32
    %mul3A_21 = vector.broadcast %mul3A_20 : f32 to vector<8x512xf32>
    %mul3A_22 = arith.mulf %mul3A_21, %sub3A_11 : vector<8x512xf32>
    %add3A_23 = arith.addf %get3A_19, %mul3A_22 : vector<8x512xf32>
    %get3A_24 = arith.constant 0 : index
    %get3A_25 = arith.constant 0 : index
    %get3A_26 = vector.load %arg8[%get3A_24, %get3A_25] : memref<8x512xf32, #tpu.memory_space<vmem>>, vector<8x512xf32>
    %exp3A = math.exp %get3A_26 : vector<8x512xf32>
    %mul3A_27 = arith.mulf %exp3A, %sub3A : vector<8x512xf32>
    %get3A_28 = arith.constant 0 : index
    %get3A_29 = arith.constant 0 : index
    %get3A_30 = vector.load %arg7[%get3A_28, %get3A_29] : memref<8x512xf32, #tpu.memory_space<vmem>>, vector<8x512xf32>
    %exp3A_31 = math.exp %get3A_30 : vector<8x512xf32>
    %mul3A_32 = arith.mulf %exp3A_31, %sub3A_11 : vector<8x512xf32>
    %get3A_33 = arith.constant 0 : index
    %get3A_34 = arith.constant 0 : index
    %get3A_35 = vector.load %arg6[%get3A_33, %get3A_34] : memref<8x512xf32, #tpu.memory_space<vmem>>, vector<8x512xf32>
    %mul3A_36 = arith.mulf %get3A_35, %sub3A : vector<8x512xf32>
    %add3A_37 = arith.addf %mul3A_36, %add3A : vector<8x512xf32>
    %get3A_38 = arith.constant 0 : index
    %get3A_39 = arith.constant 0 : index
    %get3A_40 = vector.load %arg5[%get3A_38, %get3A_39] : memref<8x512xf32, #tpu.memory_space<vmem>>, vector<8x512xf32>
    %mul3A_41 = arith.mulf %get3A_40, %sub3A_11 : vector<8x512xf32>
    %add3A_42 = arith.addf %mul3A_41, %add3A_23 : vector<8x512xf32>
    %mul3A_43 = arith.constant 5.000000e-01 : f32
    %mul3A_44 = vector.broadcast %mul3A_43 : f32 to vector<8x512xf32>
    %mul3A_45 = arith.mulf %mul3A_44, %mul3A_32 : vector<8x512xf32>
    %sub3A_46 = arith.subf %add3A_42, %mul3A_45 : vector<8x512xf32>
    %mul3A_47 = arith.constant 5.000000e-01 : f32
    %mul3A_48 = vector.broadcast %mul3A_47 : f32 to vector<8x512xf32>
    %mul3A_49 = arith.mulf %mul3A_48, %mul3A_27 : vector<8x512xf32>
    %sub3A_50 = arith.subf %add3A_37, %mul3A_49 : vector<8x512xf32>
    %add3A_51 = arith.addf %sub3A_46, %mul3A_32 : vector<8x512xf32>
    %add3A_52 = arith.addf %sub3A_50, %mul3A_27 : vector<8x512xf32>
    %sub3A_53 = arith.subf %add3A_51, %sub3A_46 : vector<8x512xf32>
    %sub3A_54 = arith.subf %add3A_52, %sub3A_50 : vector<8x512xf32>
    %mul3A_55 = arith.mulf %sub3A_53, %sub3A_54 : vector<8x512xf32>
    %iota3A = tpu.iota {dimensions = array<i32: 1>} : vector<8x512xi32>
    %iota3A_56 = tpu.iota {dimensions = array<i32: 1>} : vector<8x512xi32>
    %broadcast_in_dim3A = arith.constant 0.000000e+00 : f32
    %broadcast_in_dim3A_57 = vector.broadcast %broadcast_in_dim3A : f32 to vector<8x512xf32>
    %get3A_58 = arith.constant 0 : index
    %get3A_59 = arith.constant 0 : index
    %get3A_60 = vector.load %arg0[%get3A_58, %get3A_59] : memref<8x512xi32, #tpu.memory_space<vmem>>, vector<8x512xi32>
    %broadcast_in_dim3A_61 = arith.constant 0 : i32
    %broadcast_in_dim3A_62 = vector.broadcast %broadcast_in_dim3A_61 : i32 to vector<8x1xi32>
    %scan3A = arith.constant -3.400000e+38 : f32
    %scan3A_63 = arith.constant 0 : i32
    %scan3A_64 = arith.constant 300 : i32
    %scan3A_65 = arith.addi %scan3A_63, %scan3A_64 : i32
    %scan3A_66 = arith.constant 1 : i32
    %scan3A_67:6 = scf.for %scan3A_85 = %scan3A_63 to %scan3A_65 step %scan3A_66 iter_args(%scan3A_86 = %get3A_60, %scan3A_87 = %broadcast_in_dim3A_57, %scan3A_88 = %broadcast_in_dim3A_57, %scan3A_89 = %broadcast_in_dim3A_57, %scan3A_90 = %broadcast_in_dim3A_57, %scan3A_91 = %broadcast_in_dim3A_62) -> (vector<8x512xi32>, vector<8x512xf32>, vector<8x512xf32>, vector<8x512xf32>, vector<8x512xf32>, vector<8x1xi32>)  : i32 {
      %reduce_max3A = arith.constant dense<-2147483648> : vector<8xi32>
      %reduce_max3A_92 = vector.multi_reduction <maxsi>, %scan3A_86, %reduce_max3A [1] : vector<8x512xi32> to vector<8xi32>
      %broadcast_in_dim3A_93 = vector.shape_cast %reduce_max3A_92 : vector<8xi32> to vector<8x1xi32>
      %eq3A = vector.broadcast %broadcast_in_dim3A_93 : vector<8x1xi32> to vector<8x512xi32>
      %eq3A_94 = arith.cmpi eq, %scan3A_86, %eq3A : vector<8x512xi32>
      %broadcast_in_dim3A_95 = vector.broadcast %scan3A : f32 to vector<8x512xf32>
      %select_n3A = arith.select %eq3A_94, %sub3A_46, %broadcast_in_dim3A_95 : vector<8x512xi1>, vector<8x512xf32>
      %reduce_max3A_96 = arith.constant dense<0xFF800000> : vector<8xf32>
      %reduce_max3A_97 = vector.multi_reduction <maximumf>, %select_n3A, %reduce_max3A_96 [1] : vector<8x512xf32> to vector<8xf32>
      %broadcast_in_dim3A_98 = vector.shape_cast %reduce_max3A_97 : vector<8xf32> to vector<8x1xf32>
      %broadcast_in_dim3A_99 = vector.broadcast %scan3A : f32 to vector<8x512xf32>
      %select_n3A_100 = arith.select %eq3A_94, %sub3A_50, %broadcast_in_dim3A_99 : vector<8x512xi1>, vector<8x512xf32>
      %reduce_max3A_101 = arith.constant dense<0xFF800000> : vector<8xf32>
      %reduce_max3A_102 = vector.multi_reduction <maximumf>, %select_n3A_100, %reduce_max3A_101 [1] : vector<8x512xf32> to vector<8xf32>
      %broadcast_in_dim3A_103 = vector.shape_cast %reduce_max3A_102 : vector<8xf32> to vector<8x1xf32>
      %broadcast_in_dim3A_104 = vector.broadcast %scan3A : f32 to vector<8x512xf32>
      %select_n3A_105 = arith.select %eq3A_94, %add3A_51, %broadcast_in_dim3A_104 : vector<8x512xi1>, vector<8x512xf32>
      %reduce_max3A_106 = arith.constant dense<0xFF800000> : vector<8xf32>
      %reduce_max3A_107 = vector.multi_reduction <maximumf>, %select_n3A_105, %reduce_max3A_106 [1] : vector<8x512xf32> to vector<8xf32>
      %broadcast_in_dim3A_108 = vector.shape_cast %reduce_max3A_107 : vector<8xf32> to vector<8x1xf32>
      %broadcast_in_dim3A_109 = vector.broadcast %scan3A : f32 to vector<8x512xf32>
      %select_n3A_110 = arith.select %eq3A_94, %add3A_52, %broadcast_in_dim3A_109 : vector<8x512xi1>, vector<8x512xf32>
      %reduce_max3A_111 = arith.constant dense<0xFF800000> : vector<8xf32>
      %reduce_max3A_112 = vector.multi_reduction <maximumf>, %select_n3A_110, %reduce_max3A_111 [1] : vector<8x512xf32> to vector<8xf32>
      %broadcast_in_dim3A_113 = vector.shape_cast %reduce_max3A_112 : vector<8xf32> to vector<8x1xf32>
      %convert_element_type3A = arith.extui %eq3A_94 : vector<8x512xi1> to vector<8x512xi32>
      %reduce_sum3A = arith.constant dense<0> : vector<8xi32>
      %reduce_sum3A_114 = vector.multi_reduction <add>, %convert_element_type3A, %reduce_sum3A [1] : vector<8x512xi32> to vector<8xi32>
      %broadcast_in_dim3A_115 = vector.shape_cast %reduce_sum3A_114 : vector<8xi32> to vector<8x1xi32>
      %reduce_max3A_116 = vector.shape_cast %broadcast_in_dim3A_115 : vector<8x1xi32> to vector<1x8x1xi32>
      %reduce_max3A_117 = arith.constant dense<-2147483648> : vector<1xi32>
      %reduce_max3A_118 = vector.multi_reduction <maxsi>, %reduce_max3A_116, %reduce_max3A_117 [1, 2] : vector<1x8x1xi32> to vector<1xi32>
      %reduce_max3A_119 = vector.shape_cast %reduce_max3A_118 : vector<1xi32> to vector<1x1x1xi32>
      %reduce_max3A_120 = vector.extract %reduce_max3A_119[0, 0, 0] : i32 from vector<1x1x1xi32>
      %gt3A = arith.constant 1 : i32
      %gt3A_121 = arith.cmpi sgt, %reduce_max3A_120, %gt3A : i32
      %convert_element_type3A_122 = arith.extui %gt3A_121 : i1 to i32
      %cond3A = arith.constant 0 : i32
      %cond3A_123 = arith.cmpi ne, %convert_element_type3A_122, %cond3A : i32
      %cond3A_124:4 = scf.if %cond3A_123 -> (vector<8x1xf32>, vector<8x1xf32>, vector<8x1xf32>, vector<8x1xf32>) {
        %jit3A_172 = arith.constant 1073741824 : i32
        %broadcast_in_dim3A_173 = vector.broadcast %jit3A_172 : i32 to vector<8x512xi32>
        %select_n3A_174 = arith.select %eq3A_94, %iota3A, %broadcast_in_dim3A_173 : vector<8x512xi1>, vector<8x512xi32>
        %reduce_min3A = arith.constant dense<2147483647> : vector<8xi32>
        %reduce_min3A_175 = vector.multi_reduction <minsi>, %select_n3A_174, %reduce_min3A [1] : vector<8x512xi32> to vector<8xi32>
        %broadcast_in_dim3A_176 = vector.shape_cast %reduce_min3A_175 : vector<8xi32> to vector<8x1xi32>
        %eq3A_177 = vector.broadcast %broadcast_in_dim3A_176 : vector<8x1xi32> to vector<8x512xi32>
        %eq3A_178 = arith.cmpi eq, %iota3A, %eq3A_177 : vector<8x512xi32>
        %broadcast_in_dim3A_179 = vector.broadcast %scan3A : f32 to vector<8x512xf32>
        %select_n3A_180 = arith.select %eq3A_178, %sub3A_46, %broadcast_in_dim3A_179 : vector<8x512xi1>, vector<8x512xf32>
        %reduce_max3A_181 = arith.constant dense<0xFF800000> : vector<8xf32>
        %reduce_max3A_182 = vector.multi_reduction <maximumf>, %select_n3A_180, %reduce_max3A_181 [1] : vector<8x512xf32> to vector<8xf32>
        %broadcast_in_dim3A_183 = vector.shape_cast %reduce_max3A_182 : vector<8xf32> to vector<8x1xf32>
        %broadcast_in_dim3A_184 = vector.broadcast %scan3A : f32 to vector<8x512xf32>
        %select_n3A_185 = arith.select %eq3A_178, %sub3A_50, %broadcast_in_dim3A_184 : vector<8x512xi1>, vector<8x512xf32>
        %reduce_max3A_186 = arith.constant dense<0xFF800000> : vector<8xf32>
        %reduce_max3A_187 = vector.multi_reduction <maximumf>, %select_n3A_185, %reduce_max3A_186 [1] : vector<8x512xf32> to vector<8xf32>
        %broadcast_in_dim3A_188 = vector.shape_cast %reduce_max3A_187 : vector<8xf32> to vector<8x1xf32>
        %broadcast_in_dim3A_189 = vector.broadcast %scan3A : f32 to vector<8x512xf32>
        %select_n3A_190 = arith.select %eq3A_178, %add3A_51, %broadcast_in_dim3A_189 : vector<8x512xi1>, vector<8x512xf32>
        %reduce_max3A_191 = arith.constant dense<0xFF800000> : vector<8xf32>
        %reduce_max3A_192 = vector.multi_reduction <maximumf>, %select_n3A_190, %reduce_max3A_191 [1] : vector<8x512xf32> to vector<8xf32>
        %broadcast_in_dim3A_193 = vector.shape_cast %reduce_max3A_192 : vector<8xf32> to vector<8x1xf32>
        %broadcast_in_dim3A_194 = vector.broadcast %scan3A : f32 to vector<8x512xf32>
        %select_n3A_195 = arith.select %eq3A_178, %add3A_52, %broadcast_in_dim3A_194 : vector<8x512xi1>, vector<8x512xf32>
        %reduce_max3A_196 = arith.constant dense<0xFF800000> : vector<8xf32>
        %reduce_max3A_197 = vector.multi_reduction <maximumf>, %select_n3A_195, %reduce_max3A_196 [1] : vector<8x512xf32> to vector<8xf32>
        %broadcast_in_dim3A_198 = vector.shape_cast %reduce_max3A_197 : vector<8xf32> to vector<8x1xf32>
        scf.yield %broadcast_in_dim3A_183, %broadcast_in_dim3A_188, %broadcast_in_dim3A_193, %broadcast_in_dim3A_198 : vector<8x1xf32>, vector<8x1xf32>, vector<8x1xf32>, vector<8x1xf32>
      } else {
        scf.yield %broadcast_in_dim3A_98, %broadcast_in_dim3A_103, %broadcast_in_dim3A_108, %broadcast_in_dim3A_113 : vector<8x1xf32>, vector<8x1xf32>, vector<8x1xf32>, vector<8x1xf32>
      }
      %sub3A_125 = arith.subf %cond3A_124#2, %cond3A_124#0 : vector<8x1xf32>
      %sub3A_126 = arith.subf %cond3A_124#3, %cond3A_124#1 : vector<8x1xf32>
      %mul3A_127 = arith.mulf %sub3A_125, %sub3A_126 : vector<8x1xf32>
      %max3A = vector.broadcast %cond3A_124#0 : vector<8x1xf32> to vector<8x512xf32>
      %max3A_128 = arith.maximumf %max3A, %sub3A_46 : vector<8x512xf32>
      %max3A_129 = vector.broadcast %cond3A_124#1 : vector<8x1xf32> to vector<8x512xf32>
      %max3A_130 = arith.maximumf %max3A_129, %sub3A_50 : vector<8x512xf32>
      %min3A = vector.broadcast %cond3A_124#2 : vector<8x1xf32> to vector<8x512xf32>
      %min3A_131 = arith.minimumf %min3A, %add3A_51 : vector<8x512xf32>
      %min3A_132 = vector.broadcast %cond3A_124#3 : vector<8x1xf32> to vector<8x512xf32>
      %min3A_133 = arith.minimumf %min3A_132, %add3A_52 : vector<8x512xf32>
      %sub3A_134 = arith.subf %min3A_131, %max3A_128 : vector<8x512xf32>
      %max3A_135 = arith.constant 0.000000e+00 : f32
      %max3A_136 = vector.broadcast %max3A_135 : f32 to vector<8x512xf32>
      %max3A_137 = arith.maximumf %sub3A_134, %max3A_136 : vector<8x512xf32>
      %sub3A_138 = arith.subf %min3A_133, %max3A_130 : vector<8x512xf32>
      %max3A_139 = arith.constant 0.000000e+00 : f32
      %max3A_140 = vector.broadcast %max3A_139 : f32 to vector<8x512xf32>
      %max3A_141 = arith.maximumf %sub3A_138, %max3A_140 : vector<8x512xf32>
      %mul3A_142 = arith.mulf %max3A_137, %max3A_141 : vector<8x512xf32>
      %add3A_143 = vector.broadcast %mul3A_127 : vector<8x1xf32> to vector<8x512xf32>
      %add3A_144 = arith.addf %add3A_143, %mul3A_55 : vector<8x512xf32>
      %sub3A_145 = arith.subf %add3A_144, %mul3A_142 : vector<8x512xf32>
      %add3A_146 = arith.constant 1.000000e-07 : f32
      %add3A_147 = vector.broadcast %add3A_146 : f32 to vector<8x512xf32>
      %add3A_148 = arith.addf %sub3A_145, %add3A_147 : vector<8x512xf32>
      %div3A = arith.divf %mul3A_142, %add3A_148 : vector<8x512xf32>
      %ge3A = arith.constant 0.699999988 : f32
      %ge3A_149 = vector.broadcast %ge3A : f32 to vector<8x512xf32>
      %ge3A_150 = arith.cmpf oge, %div3A, %ge3A_149 : vector<8x512xf32>
      %jit3A = arith.constant -1 : i32
      %broadcast_in_dim3A_151 = vector.broadcast %jit3A : i32 to vector<8x512xi32>
      %select_n3A_152 = arith.select %ge3A_150, %broadcast_in_dim3A_151, %scan3A_86 : vector<8x512xi1>, vector<8x512xi32>
      %eq3A_153 = arith.constant -1 : i32
      %eq3A_154 = vector.broadcast %eq3A_153 : i32 to vector<8x1xi32>
      %eq3A_155 = arith.cmpi eq, %broadcast_in_dim3A_93, %eq3A_154 : vector<8x1xi32>
      %convert_element_type3A_156 = arith.extui %eq3A_155 : vector<8x1xi1> to vector<8x1xi32>
      %max3A_157 = arith.maxsi %scan3A_91, %convert_element_type3A_156 : vector<8x1xi32>
      %eq3A_158 = vector.broadcast %scan3A_85 : i32 to vector<8x512xi32>
      %eq3A_159 = arith.cmpi eq, %iota3A_56, %eq3A_158 : vector<8x512xi32>
      %broadcast_in_dim3A_160 = vector.shape_cast %cond3A_124#0 : vector<8x1xf32> to vector<8x1xf32>
      %broadcast_in_dim3A_161 = vector.broadcast %broadcast_in_dim3A_160 : vector<8x1xf32> to vector<8x512xf32>
      %select_n3A_162 = arith.select %eq3A_159, %broadcast_in_dim3A_161, %scan3A_87 : vector<8x512xi1>, vector<8x512xf32>
      %broadcast_in_dim3A_163 = vector.shape_cast %cond3A_124#1 : vector<8x1xf32> to vector<8x1xf32>
      %broadcast_in_dim3A_164 = vector.broadcast %broadcast_in_dim3A_163 : vector<8x1xf32> to vector<8x512xf32>
      %select_n3A_165 = arith.select %eq3A_159, %broadcast_in_dim3A_164, %scan3A_88 : vector<8x512xi1>, vector<8x512xf32>
      %broadcast_in_dim3A_166 = vector.shape_cast %cond3A_124#2 : vector<8x1xf32> to vector<8x1xf32>
      %broadcast_in_dim3A_167 = vector.broadcast %broadcast_in_dim3A_166 : vector<8x1xf32> to vector<8x512xf32>
      %select_n3A_168 = arith.select %eq3A_159, %broadcast_in_dim3A_167, %scan3A_89 : vector<8x512xi1>, vector<8x512xf32>
      %broadcast_in_dim3A_169 = vector.shape_cast %cond3A_124#3 : vector<8x1xf32> to vector<8x1xf32>
      %broadcast_in_dim3A_170 = vector.broadcast %broadcast_in_dim3A_169 : vector<8x1xf32> to vector<8x512xf32>
      %select_n3A_171 = arith.select %eq3A_159, %broadcast_in_dim3A_170, %scan3A_90 : vector<8x512xi1>, vector<8x512xf32>
      scf.yield %select_n3A_152, %select_n3A_162, %select_n3A_165, %select_n3A_168, %select_n3A_171, %max3A_157 : vector<8x512xi32>, vector<8x512xf32>, vector<8x512xf32>, vector<8x512xf32>, vector<8x512xf32>, vector<8x1xi32>
    }
    %scan3A_68 = arith.constant 300 : i32
    %swap3A = arith.constant 0 : index
    %swap3A_69 = arith.constant 0 : index
    %swap3A_70 = vector.load %arg9[%swap3A, %swap3A_69] : memref<8x512xf32, #tpu.memory_space<vmem>>, vector<8x512xf32>
    tpu.vector_store %arg9[%swap3A, %swap3A_69], %scan3A_67#1 {strides = array<i32>} : memref<8x512xf32, #tpu.memory_space<vmem>>, vector<8x512xf32>,
    %swap3A_71 = arith.constant 0 : index
    %swap3A_72 = arith.constant 0 : index
    %swap3A_73 = vector.load %arg10[%swap3A_71, %swap3A_72] : memref<8x512xf32, #tpu.memory_space<vmem>>, vector<8x512xf32>
    tpu.vector_store %arg10[%swap3A_71, %swap3A_72], %scan3A_67#2 {strides = array<i32>} : memref<8x512xf32, #tpu.memory_space<vmem>>, vector<8x512xf32>,
    %swap3A_74 = arith.constant 0 : index
    %swap3A_75 = arith.constant 0 : index
    %swap3A_76 = vector.load %arg11[%swap3A_74, %swap3A_75] : memref<8x512xf32, #tpu.memory_space<vmem>>, vector<8x512xf32>
    tpu.vector_store %arg11[%swap3A_74, %swap3A_75], %scan3A_67#3 {strides = array<i32>} : memref<8x512xf32, #tpu.memory_space<vmem>>, vector<8x512xf32>,
    %swap3A_77 = arith.constant 0 : index
    %swap3A_78 = arith.constant 0 : index
    %swap3A_79 = vector.load %arg12[%swap3A_77, %swap3A_78] : memref<8x512xf32, #tpu.memory_space<vmem>>, vector<8x512xf32>
    tpu.vector_store %arg12[%swap3A_77, %swap3A_78], %scan3A_67#4 {strides = array<i32>} : memref<8x512xf32, #tpu.memory_space<vmem>>, vector<8x512xf32>,
    %broadcast_in_dim3A_80 = vector.shape_cast %scan3A_67#5 : vector<8x1xi32> to vector<8x1xi32>
    %broadcast_in_dim3A_81 = vector.broadcast %broadcast_in_dim3A_80 : vector<8x1xi32> to vector<8x128xi32>
    %swap3A_82 = arith.constant 0 : index
    %swap3A_83 = arith.constant 0 : index
    %swap3A_84 = vector.load %arg13[%swap3A_82, %swap3A_83] : memref<8x128xi32, #tpu.memory_space<vmem>>, vector<8x128xi32>
    tpu.vector_store %arg13[%swap3A_82, %swap3A_83], %broadcast_in_dim3A_81 {strides = array<i32>} : memref<8x128xi32, #tpu.memory_space<vmem>>, vector<8x128xi32>,
    return
  }
}

module attributes {stable_mosaic.version = 14 : i64} {
  func.func @_nms_body(%arg0: memref<8x20480xf32, #tpu.memory_space<vmem>>, %arg1: memref<8x20480xf32, #tpu.memory_space<vmem>>, %arg2: memref<8x20480xf32, #tpu.memory_space<vmem>>, %arg3: memref<8x20480xf32, #tpu.memory_space<vmem>>, %arg4: memref<8x20480xf32, #tpu.memory_space<vmem>>, %arg5: memref<8x20480xf32, #tpu.memory_space<vmem>>, %arg6: memref<8x20480xf32, #tpu.memory_space<vmem>>, %arg7: memref<8x20480xf32, #tpu.memory_space<vmem>>, %arg8: memref<8x20480xf32, #tpu.memory_space<vmem>>, %arg9: memref<8x512xf32, #tpu.memory_space<vmem>>, %arg10: memref<8x512xf32, #tpu.memory_space<vmem>>, %arg11: memref<8x512xf32, #tpu.memory_space<vmem>>, %arg12: memref<8x512xf32, #tpu.memory_space<vmem>>, %arg13: memref<8x20480xf32, #tpu.memory_space<vmem>>, %arg14: memref<8x20480xf32, #tpu.memory_space<vmem>>, %arg15: memref<8x20480xf32, #tpu.memory_space<vmem>>, %arg16: memref<8x20480xf32, #tpu.memory_space<vmem>>, %arg17: memref<8x20480xf32, #tpu.memory_space<vmem>>, %arg18: memref<8x20480xf32, #tpu.memory_space<vmem>>) attributes {dimension_semantics = [], scalar_prefetch = 0 : i64, scratch_operands = 6 : i64, tpu.core_type = #tpu.core_type<tc>} {
    %get3A = arith.constant 0 : index
    %get3A_0 = arith.constant 0 : index
    %get3A_1 = vector.load %arg3[%get3A, %get3A_0] : memref<8x20480xf32, #tpu.memory_space<vmem>>, vector<8x20480xf32>
    %get3A_2 = arith.constant 0 : index
    %get3A_3 = arith.constant 0 : index
    %get3A_4 = vector.load %arg1[%get3A_2, %get3A_3] : memref<8x20480xf32, #tpu.memory_space<vmem>>, vector<8x20480xf32>
    %sub3A = arith.subf %get3A_1, %get3A_4 : vector<8x20480xf32>
    %get3A_5 = arith.constant 0 : index
    %get3A_6 = arith.constant 0 : index
    %get3A_7 = vector.load %arg2[%get3A_5, %get3A_6] : memref<8x20480xf32, #tpu.memory_space<vmem>>, vector<8x20480xf32>
    %get3A_8 = arith.constant 0 : index
    %get3A_9 = arith.constant 0 : index
    %get3A_10 = vector.load %arg0[%get3A_8, %get3A_9] : memref<8x20480xf32, #tpu.memory_space<vmem>>, vector<8x20480xf32>
    %sub3A_11 = arith.subf %get3A_7, %get3A_10 : vector<8x20480xf32>
    %get3A_12 = arith.constant 0 : index
    %get3A_13 = arith.constant 0 : index
    %get3A_14 = vector.load %arg1[%get3A_12, %get3A_13] : memref<8x20480xf32, #tpu.memory_space<vmem>>, vector<8x20480xf32>
    %mul3A = arith.constant 5.000000e-01 : f32
    %mul3A_15 = vector.broadcast %mul3A : f32 to vector<8x20480xf32>
    %mul3A_16 = arith.mulf %mul3A_15, %sub3A : vector<8x20480xf32>
    %add3A = arith.addf %get3A_14, %mul3A_16 : vector<8x20480xf32>
    %get3A_17 = arith.constant 0 : index
    %get3A_18 = arith.constant 0 : index
    %get3A_19 = vector.load %arg0[%get3A_17, %get3A_18] : memref<8x20480xf32, #tpu.memory_space<vmem>>, vector<8x20480xf32>
    %mul3A_20 = arith.constant 5.000000e-01 : f32
    %mul3A_21 = vector.broadcast %mul3A_20 : f32 to vector<8x20480xf32>
    %mul3A_22 = arith.mulf %mul3A_21, %sub3A_11 : vector<8x20480xf32>
    %add3A_23 = arith.addf %get3A_19, %mul3A_22 : vector<8x20480xf32>
    %get3A_24 = arith.constant 0 : index
    %get3A_25 = arith.constant 0 : index
    %get3A_26 = vector.load %arg7[%get3A_24, %get3A_25] : memref<8x20480xf32, #tpu.memory_space<vmem>>, vector<8x20480xf32>
    %exp3A = math.exp %get3A_26 : vector<8x20480xf32>
    %mul3A_27 = arith.mulf %exp3A, %sub3A : vector<8x20480xf32>
    %get3A_28 = arith.constant 0 : index
    %get3A_29 = arith.constant 0 : index
    %get3A_30 = vector.load %arg6[%get3A_28, %get3A_29] : memref<8x20480xf32, #tpu.memory_space<vmem>>, vector<8x20480xf32>
    %exp3A_31 = math.exp %get3A_30 : vector<8x20480xf32>
    %mul3A_32 = arith.mulf %exp3A_31, %sub3A_11 : vector<8x20480xf32>
    %get3A_33 = arith.constant 0 : index
    %get3A_34 = arith.constant 0 : index
    %get3A_35 = vector.load %arg5[%get3A_33, %get3A_34] : memref<8x20480xf32, #tpu.memory_space<vmem>>, vector<8x20480xf32>
    %mul3A_36 = arith.mulf %get3A_35, %sub3A : vector<8x20480xf32>
    %add3A_37 = arith.addf %mul3A_36, %add3A : vector<8x20480xf32>
    %get3A_38 = arith.constant 0 : index
    %get3A_39 = arith.constant 0 : index
    %get3A_40 = vector.load %arg4[%get3A_38, %get3A_39] : memref<8x20480xf32, #tpu.memory_space<vmem>>, vector<8x20480xf32>
    %mul3A_41 = arith.mulf %get3A_40, %sub3A_11 : vector<8x20480xf32>
    %add3A_42 = arith.addf %mul3A_41, %add3A_23 : vector<8x20480xf32>
    %mul3A_43 = arith.constant 5.000000e-01 : f32
    %mul3A_44 = vector.broadcast %mul3A_43 : f32 to vector<8x20480xf32>
    %mul3A_45 = arith.mulf %mul3A_44, %mul3A_32 : vector<8x20480xf32>
    %sub3A_46 = arith.subf %add3A_42, %mul3A_45 : vector<8x20480xf32>
    %mul3A_47 = arith.constant 5.000000e-01 : f32
    %mul3A_48 = vector.broadcast %mul3A_47 : f32 to vector<8x20480xf32>
    %mul3A_49 = arith.mulf %mul3A_48, %mul3A_27 : vector<8x20480xf32>
    %sub3A_50 = arith.subf %add3A_37, %mul3A_49 : vector<8x20480xf32>
    %add3A_51 = arith.addf %sub3A_46, %mul3A_32 : vector<8x20480xf32>
    %add3A_52 = arith.addf %sub3A_50, %mul3A_27 : vector<8x20480xf32>
    %swap3A = arith.constant 0 : index
    %swap3A_53 = arith.constant 0 : index
    %swap3A_54 = vector.load %arg13[%swap3A, %swap3A_53] : memref<8x20480xf32, #tpu.memory_space<vmem>>, vector<8x20480xf32>
    tpu.vector_store %arg13[%swap3A, %swap3A_53], %sub3A_46 {strides = array<i32>} : memref<8x20480xf32, #tpu.memory_space<vmem>>, vector<8x20480xf32>,
    %swap3A_55 = arith.constant 0 : index
    %swap3A_56 = arith.constant 0 : index
    %swap3A_57 = vector.load %arg14[%swap3A_55, %swap3A_56] : memref<8x20480xf32, #tpu.memory_space<vmem>>, vector<8x20480xf32>
    tpu.vector_store %arg14[%swap3A_55, %swap3A_56], %sub3A_50 {strides = array<i32>} : memref<8x20480xf32, #tpu.memory_space<vmem>>, vector<8x20480xf32>,
    %swap3A_58 = arith.constant 0 : index
    %swap3A_59 = arith.constant 0 : index
    %swap3A_60 = vector.load %arg15[%swap3A_58, %swap3A_59] : memref<8x20480xf32, #tpu.memory_space<vmem>>, vector<8x20480xf32>
    tpu.vector_store %arg15[%swap3A_58, %swap3A_59], %add3A_51 {strides = array<i32>} : memref<8x20480xf32, #tpu.memory_space<vmem>>, vector<8x20480xf32>,
    %swap3A_61 = arith.constant 0 : index
    %swap3A_62 = arith.constant 0 : index
    %swap3A_63 = vector.load %arg16[%swap3A_61, %swap3A_62] : memref<8x20480xf32, #tpu.memory_space<vmem>>, vector<8x20480xf32>
    tpu.vector_store %arg16[%swap3A_61, %swap3A_62], %add3A_52 {strides = array<i32>} : memref<8x20480xf32, #tpu.memory_space<vmem>>, vector<8x20480xf32>,
    %sub3A_64 = arith.subf %add3A_51, %sub3A_46 : vector<8x20480xf32>
    %sub3A_65 = arith.subf %add3A_52, %sub3A_50 : vector<8x20480xf32>
    %mul3A_66 = arith.mulf %sub3A_64, %sub3A_65 : vector<8x20480xf32>
    %swap3A_67 = arith.constant 0 : index
    %swap3A_68 = arith.constant 0 : index
    %swap3A_69 = vector.load %arg17[%swap3A_67, %swap3A_68] : memref<8x20480xf32, #tpu.memory_space<vmem>>, vector<8x20480xf32>
    tpu.vector_store %arg17[%swap3A_67, %swap3A_68], %mul3A_66 {strides = array<i32>} : memref<8x20480xf32, #tpu.memory_space<vmem>>, vector<8x20480xf32>,
    %get3A_70 = arith.constant 0 : index
    %get3A_71 = arith.constant 0 : index
    %get3A_72 = vector.load %arg8[%get3A_70, %get3A_71] : memref<8x20480xf32, #tpu.memory_space<vmem>>, vector<8x20480xf32>
    %swap3A_73 = arith.constant 0 : index
    %swap3A_74 = arith.constant 0 : index
    %swap3A_75 = vector.load %arg18[%swap3A_73, %swap3A_74] : memref<8x20480xf32, #tpu.memory_space<vmem>>, vector<8x20480xf32>
    tpu.vector_store %arg18[%swap3A_73, %swap3A_74], %get3A_72 {strides = array<i32>} : memref<8x20480xf32, #tpu.memory_space<vmem>>, vector<8x20480xf32>,
    %iota3A = tpu.iota {dimensions = array<i32: 1>} : vector<8x20480xi32>
    %iota3A_76 = tpu.iota {dimensions = array<i32: 1>} : vector<8x512xi32>
    %scan3A = arith.constant -3.400000e+38 : f32
    %scan3A_77 = arith.constant -1.000000e+09 : f32
    %scan3A_78 = arith.constant 0 : i32
    %scan3A_79 = arith.constant 300 : i32
    %scan3A_80 = arith.addi %scan3A_78, %scan3A_79 : i32
    %scan3A_81 = arith.constant 1 : i32
    scf.for %scan3A_83 = %scan3A_78 to %scan3A_80 step %scan3A_81  : i32 {
      %get3A_84 = arith.constant 0 : index
      %get3A_85 = arith.constant 0 : index
      %get3A_86 = vector.load %arg18[%get3A_84, %get3A_85] : memref<8x20480xf32, #tpu.memory_space<vmem>>, vector<8x20480xf32>
      %reduce_max3A = arith.constant dense<0xFF800000> : vector<8xf32>
      %reduce_max3A_87 = vector.multi_reduction <maximumf>, %get3A_86, %reduce_max3A [1] : vector<8x20480xf32> to vector<8xf32>
      %broadcast_in_dim3A = vector.shape_cast %reduce_max3A_87 : vector<8xf32> to vector<8x1xf32>
      %eq3A = vector.broadcast %broadcast_in_dim3A : vector<8x1xf32> to vector<8x20480xf32>
      %eq3A_88 = arith.cmpf oeq, %get3A_86, %eq3A : vector<8x20480xf32>
      %jit3A = arith.constant 1073741824 : i32
      %broadcast_in_dim3A_89 = vector.broadcast %jit3A : i32 to vector<8x20480xi32>
      %select_n3A = arith.select %eq3A_88, %iota3A, %broadcast_in_dim3A_89 : vector<8x20480xi1>, vector<8x20480xi32>
      %reduce_min3A = arith.constant dense<2147483647> : vector<8xi32>
      %reduce_min3A_90 = vector.multi_reduction <minsi>, %select_n3A, %reduce_min3A [1] : vector<8x20480xi32> to vector<8xi32>
      %broadcast_in_dim3A_91 = vector.shape_cast %reduce_min3A_90 : vector<8xi32> to vector<8x1xi32>
      %eq3A_92 = vector.broadcast %broadcast_in_dim3A_91 : vector<8x1xi32> to vector<8x20480xi32>
      %eq3A_93 = arith.cmpi eq, %iota3A, %eq3A_92 : vector<8x20480xi32>
      %get3A_94 = arith.constant 0 : index
      %get3A_95 = arith.constant 0 : index
      %get3A_96 = vector.load %arg13[%get3A_94, %get3A_95] : memref<8x20480xf32, #tpu.memory_space<vmem>>, vector<8x20480xf32>
      %get3A_97 = arith.constant 0 : index
      %get3A_98 = arith.constant 0 : index
      %get3A_99 = vector.load %arg14[%get3A_97, %get3A_98] : memref<8x20480xf32, #tpu.memory_space<vmem>>, vector<8x20480xf32>
      %get3A_100 = arith.constant 0 : index
      %get3A_101 = arith.constant 0 : index
      %get3A_102 = vector.load %arg15[%get3A_100, %get3A_101] : memref<8x20480xf32, #tpu.memory_space<vmem>>, vector<8x20480xf32>
      %get3A_103 = arith.constant 0 : index
      %get3A_104 = arith.constant 0 : index
      %get3A_105 = vector.load %arg16[%get3A_103, %get3A_104] : memref<8x20480xf32, #tpu.memory_space<vmem>>, vector<8x20480xf32>
      %broadcast_in_dim3A_106 = vector.broadcast %scan3A : f32 to vector<8x20480xf32>
      %select_n3A_107 = arith.select %eq3A_93, %get3A_96, %broadcast_in_dim3A_106 : vector<8x20480xi1>, vector<8x20480xf32>
      %reduce_max3A_108 = arith.constant dense<0xFF800000> : vector<8xf32>
      %reduce_max3A_109 = vector.multi_reduction <maximumf>, %select_n3A_107, %reduce_max3A_108 [1] : vector<8x20480xf32> to vector<8xf32>
      %broadcast_in_dim3A_110 = vector.shape_cast %reduce_max3A_109 : vector<8xf32> to vector<8x1xf32>
      %broadcast_in_dim3A_111 = vector.broadcast %scan3A : f32 to vector<8x20480xf32>
      %select_n3A_112 = arith.select %eq3A_93, %get3A_99, %broadcast_in_dim3A_111 : vector<8x20480xi1>, vector<8x20480xf32>
      %reduce_max3A_113 = arith.constant dense<0xFF800000> : vector<8xf32>
      %reduce_max3A_114 = vector.multi_reduction <maximumf>, %select_n3A_112, %reduce_max3A_113 [1] : vector<8x20480xf32> to vector<8xf32>
      %broadcast_in_dim3A_115 = vector.shape_cast %reduce_max3A_114 : vector<8xf32> to vector<8x1xf32>
      %broadcast_in_dim3A_116 = vector.broadcast %scan3A : f32 to vector<8x20480xf32>
      %select_n3A_117 = arith.select %eq3A_93, %get3A_102, %broadcast_in_dim3A_116 : vector<8x20480xi1>, vector<8x20480xf32>
      %reduce_max3A_118 = arith.constant dense<0xFF800000> : vector<8xf32>
      %reduce_max3A_119 = vector.multi_reduction <maximumf>, %select_n3A_117, %reduce_max3A_118 [1] : vector<8x20480xf32> to vector<8xf32>
      %broadcast_in_dim3A_120 = vector.shape_cast %reduce_max3A_119 : vector<8xf32> to vector<8x1xf32>
      %broadcast_in_dim3A_121 = vector.broadcast %scan3A : f32 to vector<8x20480xf32>
      %select_n3A_122 = arith.select %eq3A_93, %get3A_105, %broadcast_in_dim3A_121 : vector<8x20480xi1>, vector<8x20480xf32>
      %reduce_max3A_123 = arith.constant dense<0xFF800000> : vector<8xf32>
      %reduce_max3A_124 = vector.multi_reduction <maximumf>, %select_n3A_122, %reduce_max3A_123 [1] : vector<8x20480xf32> to vector<8xf32>
      %broadcast_in_dim3A_125 = vector.shape_cast %reduce_max3A_124 : vector<8xf32> to vector<8x1xf32>
      %sub3A_126 = arith.subf %broadcast_in_dim3A_120, %broadcast_in_dim3A_110 : vector<8x1xf32>
      %sub3A_127 = arith.subf %broadcast_in_dim3A_125, %broadcast_in_dim3A_115 : vector<8x1xf32>
      %mul3A_128 = arith.mulf %sub3A_126, %sub3A_127 : vector<8x1xf32>
      %max3A = vector.broadcast %broadcast_in_dim3A_110 : vector<8x1xf32> to vector<8x20480xf32>
      %max3A_129 = arith.maximumf %max3A, %get3A_96 : vector<8x20480xf32>
      %max3A_130 = vector.broadcast %broadcast_in_dim3A_115 : vector<8x1xf32> to vector<8x20480xf32>
      %max3A_131 = arith.maximumf %max3A_130, %get3A_99 : vector<8x20480xf32>
      %min3A = vector.broadcast %broadcast_in_dim3A_120 : vector<8x1xf32> to vector<8x20480xf32>
      %min3A_132 = arith.minimumf %min3A, %get3A_102 : vector<8x20480xf32>
      %min3A_133 = vector.broadcast %broadcast_in_dim3A_125 : vector<8x1xf32> to vector<8x20480xf32>
      %min3A_134 = arith.minimumf %min3A_133, %get3A_105 : vector<8x20480xf32>
      %sub3A_135 = arith.subf %min3A_132, %max3A_129 : vector<8x20480xf32>
      %max3A_136 = arith.constant 0.000000e+00 : f32
      %max3A_137 = vector.broadcast %max3A_136 : f32 to vector<8x20480xf32>
      %max3A_138 = arith.maximumf %sub3A_135, %max3A_137 : vector<8x20480xf32>
      %sub3A_139 = arith.subf %min3A_134, %max3A_131 : vector<8x20480xf32>
      %max3A_140 = arith.constant 0.000000e+00 : f32
      %max3A_141 = vector.broadcast %max3A_140 : f32 to vector<8x20480xf32>
      %max3A_142 = arith.maximumf %sub3A_139, %max3A_141 : vector<8x20480xf32>
      %mul3A_143 = arith.mulf %max3A_138, %max3A_142 : vector<8x20480xf32>
      %get3A_144 = arith.constant 0 : index
      %get3A_145 = arith.constant 0 : index
      %get3A_146 = vector.load %arg17[%get3A_144, %get3A_145] : memref<8x20480xf32, #tpu.memory_space<vmem>>, vector<8x20480xf32>
      %add3A_147 = vector.broadcast %mul3A_128 : vector<8x1xf32> to vector<8x20480xf32>
      %add3A_148 = arith.addf %add3A_147, %get3A_146 : vector<8x20480xf32>
      %sub3A_149 = arith.subf %add3A_148, %mul3A_143 : vector<8x20480xf32>
      %add3A_150 = arith.constant 1.000000e-07 : f32
      %add3A_151 = vector.broadcast %add3A_150 : f32 to vector<8x20480xf32>
      %add3A_152 = arith.addf %sub3A_149, %add3A_151 : vector<8x20480xf32>
      %div3A = arith.divf %mul3A_143, %add3A_152 : vector<8x20480xf32>
      %ge3A = arith.constant 0.699999988 : f32
      %ge3A_153 = vector.broadcast %ge3A : f32 to vector<8x20480xf32>
      %ge3A_154 = arith.cmpf oge, %div3A, %ge3A_153 : vector<8x20480xf32>
      %broadcast_in_dim3A_155 = vector.broadcast %scan3A_77 : f32 to vector<8x20480xf32>
      %select_n3A_156 = arith.select %ge3A_154, %broadcast_in_dim3A_155, %get3A_86 : vector<8x20480xi1>, vector<8x20480xf32>
      %broadcast_in_dim3A_157 = vector.broadcast %scan3A_77 : f32 to vector<8x20480xf32>
      %select_n3A_158 = arith.select %eq3A_93, %broadcast_in_dim3A_157, %select_n3A_156 : vector<8x20480xi1>, vector<8x20480xf32>
      %swap3A_159 = arith.constant 0 : index
      %swap3A_160 = arith.constant 0 : index
      %swap3A_161 = vector.load %arg18[%swap3A_159, %swap3A_160] : memref<8x20480xf32, #tpu.memory_space<vmem>>, vector<8x20480xf32>
      tpu.vector_store %arg18[%swap3A_159, %swap3A_160], %select_n3A_158 {strides = array<i32>} : memref<8x20480xf32, #tpu.memory_space<vmem>>, vector<8x20480xf32>,
      %eq3A_162 = vector.broadcast %scan3A_83 : i32 to vector<8x512xi32>
      %eq3A_163 = arith.cmpi eq, %iota3A_76, %eq3A_162 : vector<8x512xi32>
      %get3A_164 = arith.constant 0 : index
      %get3A_165 = arith.constant 0 : index
      %get3A_166 = vector.load %arg9[%get3A_164, %get3A_165] : memref<8x512xf32, #tpu.memory_space<vmem>>, vector<8x512xf32>
      %broadcast_in_dim3A_167 = vector.shape_cast %broadcast_in_dim3A_110 : vector<8x1xf32> to vector<8x1xf32>
      %broadcast_in_dim3A_168 = vector.broadcast %broadcast_in_dim3A_167 : vector<8x1xf32> to vector<8x512xf32>
      %select_n3A_169 = arith.select %eq3A_163, %broadcast_in_dim3A_168, %get3A_166 : vector<8x512xi1>, vector<8x512xf32>
      %swap3A_170 = arith.constant 0 : index
      %swap3A_171 = arith.constant 0 : index
      %swap3A_172 = vector.load %arg9[%swap3A_170, %swap3A_171] : memref<8x512xf32, #tpu.memory_space<vmem>>, vector<8x512xf32>
      tpu.vector_store %arg9[%swap3A_170, %swap3A_171], %select_n3A_169 {strides = array<i32>} : memref<8x512xf32, #tpu.memory_space<vmem>>, vector<8x512xf32>,
      %get3A_173 = arith.constant 0 : index
      %get3A_174 = arith.constant 0 : index
      %get3A_175 = vector.load %arg10[%get3A_173, %get3A_174] : memref<8x512xf32, #tpu.memory_space<vmem>>, vector<8x512xf32>
      %broadcast_in_dim3A_176 = vector.shape_cast %broadcast_in_dim3A_115 : vector<8x1xf32> to vector<8x1xf32>
      %broadcast_in_dim3A_177 = vector.broadcast %broadcast_in_dim3A_176 : vector<8x1xf32> to vector<8x512xf32>
      %select_n3A_178 = arith.select %eq3A_163, %broadcast_in_dim3A_177, %get3A_175 : vector<8x512xi1>, vector<8x512xf32>
      %swap3A_179 = arith.constant 0 : index
      %swap3A_180 = arith.constant 0 : index
      %swap3A_181 = vector.load %arg10[%swap3A_179, %swap3A_180] : memref<8x512xf32, #tpu.memory_space<vmem>>, vector<8x512xf32>
      tpu.vector_store %arg10[%swap3A_179, %swap3A_180], %select_n3A_178 {strides = array<i32>} : memref<8x512xf32, #tpu.memory_space<vmem>>, vector<8x512xf32>,
      %get3A_182 = arith.constant 0 : index
      %get3A_183 = arith.constant 0 : index
      %get3A_184 = vector.load %arg11[%get3A_182, %get3A_183] : memref<8x512xf32, #tpu.memory_space<vmem>>, vector<8x512xf32>
      %broadcast_in_dim3A_185 = vector.shape_cast %broadcast_in_dim3A_120 : vector<8x1xf32> to vector<8x1xf32>
      %broadcast_in_dim3A_186 = vector.broadcast %broadcast_in_dim3A_185 : vector<8x1xf32> to vector<8x512xf32>
      %select_n3A_187 = arith.select %eq3A_163, %broadcast_in_dim3A_186, %get3A_184 : vector<8x512xi1>, vector<8x512xf32>
      %swap3A_188 = arith.constant 0 : index
      %swap3A_189 = arith.constant 0 : index
      %swap3A_190 = vector.load %arg11[%swap3A_188, %swap3A_189] : memref<8x512xf32, #tpu.memory_space<vmem>>, vector<8x512xf32>
      tpu.vector_store %arg11[%swap3A_188, %swap3A_189], %select_n3A_187 {strides = array<i32>} : memref<8x512xf32, #tpu.memory_space<vmem>>, vector<8x512xf32>,
      %get3A_191 = arith.constant 0 : index
      %get3A_192 = arith.constant 0 : index
      %get3A_193 = vector.load %arg12[%get3A_191, %get3A_192] : memref<8x512xf32, #tpu.memory_space<vmem>>, vector<8x512xf32>
      %broadcast_in_dim3A_194 = vector.shape_cast %broadcast_in_dim3A_125 : vector<8x1xf32> to vector<8x1xf32>
      %broadcast_in_dim3A_195 = vector.broadcast %broadcast_in_dim3A_194 : vector<8x1xf32> to vector<8x512xf32>
      %select_n3A_196 = arith.select %eq3A_163, %broadcast_in_dim3A_195, %get3A_193 : vector<8x512xi1>, vector<8x512xf32>
      %swap3A_197 = arith.constant 0 : index
      %swap3A_198 = arith.constant 0 : index
      %swap3A_199 = vector.load %arg12[%swap3A_197, %swap3A_198] : memref<8x512xf32, #tpu.memory_space<vmem>>, vector<8x512xf32>
      tpu.vector_store %arg12[%swap3A_197, %swap3A_198], %select_n3A_196 {strides = array<i32>} : memref<8x512xf32, #tpu.memory_space<vmem>>, vector<8x512xf32>,
    }
    %scan3A_82 = arith.constant 300 : i32
    return
  }
}

</mosaic_0001>

<sc_bundles>
// kernel: kernel.4.cloned.1.call-start
scs
__scs_entry_jumppad:
0x0: {  	(pc) =	sbr.rel $0x88, $3  }
0x1: {  	(tag) =	ssettag $0x0;
	lr =	simm.s32 $0x1  }
0x2: {  	[smem:$0x3F9D] =	sst lr;
	_ =	strace $0xD0000000  }
0x3: {  	_ = 	snop  }
0x4: {  	_ = 	snop  }
0x5: {  	_ = 	snop  }
0x6: {  	_ = 	snop  }
0x7: {  	_ = 	snop  }
__scs_overlays_trampoline_lowered:
0x8: {  	[smem:$0x3FAC] =	sst s0  }
0x9: {  	[smem:$0x3FAD] =	sst s1  }
0xa: {  	[smem:$0x3FAE] =	sst s2  }
0xb: {  	[smem:$0x3FAF] =	sst s3  }
0xc: {  	[smem:$0x3FB0] =	sst s4  }
0xd: {  	[smem:$0x3FB1] =	sst s5  }
0xe: {  	[smem:$0x3FB2] =	sst s6  }
0xf: {  	[smem:$0x3FB3] =	sst s7  }
0x10: {  	[smem:$0x3FB4] =	sst s8  }
0x11: {  	[smem:$0x3FB5] =	sst s9;
	s0 =	simm.s32 @!p0 $0x0  }
0x12: {  	s1 =	sld [smem:$0x3F9B];
	s0 =	simm.s32 @p0 $0x1  }
0x13: {  	[smem:$0x3FB6] =	sst s0;
	s0 =	simm.s32 @!p1 $0x0  }
0x14: {  	s2 =	sld [smem:$0x3F9A];
	s0 =	simm.s32 @p1 $0x1  }
0x15: {  	[smem:$0x3FB7] =	sst s0;
	s0 =	simm.s32 @!p2 $0x0  }
0x16: {  	s3 =	sld [smem:$0x3FDB];
	s0 =	simm.s32 @p2 $0x1  }
0x17: {  	s4 =	simm.s32 $0x1BF5;
	[smem:$0x3FB9] =	sst s0  }
0x18: {  	s0 =	sld [smem:$0x3F9C];
	_ =	swait.ge [sflag:s4], $0x0  }
0x19: {  	s7 =	sld [smem:$0x3F9D]  }
0x1a: {  	s8 =	sadd.s32 $0xFFFFE003, lr  }
0x1b: {  	s9 =	sadd.s32 $0xFFFFFEF7, lr;
	s5 =	simm.s32 $0xFFFFFFFF;
	p2 =	slt.u32 s8, $0xFFFFF086  }
0x1c: {  	p1 =	slt.u32 s9, $0xF7A;
	s5 =	simm.s32 @!p2 $0x0  }
0x1d: {  	s5 =	simm.s32 @p1 $0x1;
	p0 =	seq.s32 s7, s2  }
0x1e: {  	s7 =	smul.u32 @!p0 $0xF7A, s2;
	p2 =	seq.s32 @!p0 s5, $0x0  }
0x1f: {  	s9 =	smul.u32 $0xF7A, s1;
	s8 =	simm.s32 @!p0 $0x1BF5;
	p2 =	por !p2, p0  }
0x20: {  	[sflag:s8] =	ssyncset.s32 @!p0 $0xFFFFF086;
	s6 =	sadd.s32 @!p0 s3, s7;
	s7 =	simm.s32 @!p0 $0x108  }
0x21: {  	s3 =	sadd.s32 s3, s9;
	s6 =	sadd.s32 @!p0 $0x88, s6;
	s7 =	simm.s32 @p2 $0x1082  }
0x22: {  	[simem:s7], [sflag:s8] =	dma.local @!p0 [hbm:s6], $0xF7A  }
0x23: {  	s9 =	sor.u32 $0xD0000000, s2;
	s6 =	simm.s32 $0x108;
	_ =	swait.ge @!p0 [sflag:s8], $0x0  }
0x24: {  	s3 =	sadd.s32 $0x88, s3;
	s6 =	simm.s32 @!p1 $0x1082;
	[sflag:s4] =	ssyncset.s32 $0xFFFFF086  }
0x25: {  	[simem:s6], [sflag:s4] =	dma.local [hbm:s3], $0xF7A  }
0x26: {  	[smem:$0x3F9D] =	sst s1;
	(tag) =	ssettag s2;
	_ =	strace s9  }
0x27: {  	s1 =	sld [smem:$0x3FAD]  }
0x28: {  	s2 =	sld [smem:$0x3FAE]  }
0x29: {  	s4 =	sld [smem:$0x3FB0]  }
0x2a: {  	p0 =	seq.s32 s5, $0x0;
	s5 =	sld [smem:$0x3FB1]  }
0x2b: {  	s6 =	sld [smem:$0x3FB2]  }
0x2c: {  	s7 =	sld [smem:$0x3FB3]  }
0x2d: {  	s3 =	simm.s32 $0x108;
	s8 =	sld [smem:$0x3FB4]  }
0x2e: {  	s3 =	simm.s32 @!p0 $0x1082;
	s9 =	sld [smem:$0x3FB5]  }
0x2f: {  	lr =	sadd.s32 s0, s3;
	s0 =	sld [smem:$0x3FAC]  }
0x30: {  	s3 =	sld [smem:$0x3FAF]  }
0x31: {  	[smem:$0x3FB8] =	sst s10  }
0x32: {  	s10 =	sld [smem:$0x3FB6];
	_ =	sdelay $0x3  }
0x33: {  	p0 =	seq.s32 s10, $0x1;
	s10 =	sld [smem:$0x3FB8];
	_ =	sdelay $0x3  }
0x34: {  	[smem:$0x3FB8] =	sst s10  }
0x35: {  	s10 =	sld [smem:$0x3FB7];
	_ =	sdelay $0x3  }
0x36: {  	p1 =	seq.s32 s10, $0x1;
	s10 =	sld [smem:$0x3FB8];
	_ =	sdelay $0x3  }
0x37: {  	[smem:$0x3FB8] =	sst s10  }
0x38: {  	s10 =	sld [smem:$0x3FB9]  }
0x39: {  	_ = 	snop;
	(pc) =	sbr.ind lr, $3  }
0x3a: {  	_ = 	snop  }
0x3b: {  	_ = 	snop  }
0x3c: {  	p2 =	seq.s32 s10, $0x1;
	s10 =	sld [smem:$0x3FB8]  }
0x3d: {  	_ =	shalt  }
0x3e: {  	_ =	shalt  }
0x3f: {  	_ =	shalt  }
0x40: {  	_ =	shalt  }
0x41: {  	_ =	shalt  }
0x42: {  	_ =	shalt  }
0x43: {  	_ =	shalt  }
0x44: {  	_ =	shalt  }
0x45: {  	_ =	shalt  }
0x46: {  	_ =	shalt  }
0x47: {  	_ =	shalt  }
0x48: {  	_ =	shalt  }
0x49: {  	_ =	shalt  }
0x4a: {  	_ =	shalt  }
0x4b: {  	_ =	shalt  }
0x4c: {  	_ =	shalt  }
0x4d: {  	_ =	shalt  }
0x4e: {  	_ =	shalt  }
0x4f: {  	_ =	shalt  }
0x50: {  	_ =	shalt  }
0x51: {  	_ =	shalt  }
0x52: {  	_ =	shalt  }
0x53: {  	_ =	shalt  }
0x54: {  	_ =	shalt  }
0x55: {  	_ =	shalt  }
0x56: {  	_ =	shalt  }
0x57: {  	_ =	shalt  }
0x58: {  	_ =	shalt  }
0x59: {  	_ =	shalt  }
0x5a: {  	_ =	shalt  }
0x5b: {  	_ =	shalt  }
0x5c: {  	_ =	shalt  }
0x5d: {  	_ =	shalt  }
0x5e: {  	_ =	shalt  }
0x5f: {  	_ =	shalt  }
0x60: {  	_ =	shalt  }
0x61: {  	_ =	shalt  }
0x62: {  	_ =	shalt  }
0x63: {  	_ =	shalt  }
0x64: {  	_ =	shalt  }
0x65: {  	_ =	shalt  }
0x66: {  	_ =	shalt  }
0x67: {  	_ =	shalt  }
0x68: {  	_ =	shalt  }
0x69: {  	_ =	shalt  }
0x6a: {  	_ =	shalt  }
0x6b: {  	_ =	shalt  }
0x6c: {  	_ =	shalt  }
0x6d: {  	_ =	shalt  }
0x6e: {  	_ =	shalt  }
0x6f: {  	_ =	shalt  }
0x70: {  	_ =	shalt  }
0x71: {  	_ =	shalt  }
0x72: {  	_ =	shalt  }
0x73: {  	_ =	shalt  }
0x74: {  	_ =	shalt  }
0x75: {  	_ =	shalt  }
0x76: {  	_ =	shalt  }
0x77: {  	_ =	shalt  }
0x78: {  	_ =	shalt  }
0x79: {  	_ =	shalt  }
0x7a: {  	_ =	shalt  }
0x7b: {  	_ =	shalt  }
0x7c: {  	_ =	shalt  }
0x7d: {  	_ =	shalt  }
0x7e: {  	_ =	shalt  }
0x7f: {  	_ =	shalt  }
0x80: {  	_ =	shalt  }
0x81: {  	_ =	shalt  }
0x82: {  	_ =	shalt  }
0x83: {  	_ =	shalt  }
0x84: {  	_ =	shalt  }
0x85: {  	_ =	shalt  }
0x86: {  	_ =	shalt  }
0x87: {  	_ =	shalt  }
.Lfunc_end0:
.L_simem_size_0:
called_computation_lowered:
.L_overlay_start_0:
0x88: {  	s2 =	sld [smem:$0x3FD9]  }
0x89: {  	s3 =	sld [smem:$0x3FFE];
	_ =	sdelay $0x1  }
0x8a: {  	s1 =	srdreg.scid  }
0x8b: {  	s0 =	sand.u32 $0x1, s1  }
0x8c: {  	s14 =	sshll.u32 s0, $0xA;
	s2 =	sadd.s32 s3, s2  }
0x8d: {  	s2 =	sadd.s32 s2, s14  }
0x8e: {  	[smem:$0x3FC4] =	sst s2  }
0x8f: {  	_ = 	snop  }
0x90: {  	s2 =	sld [smem:$0x3FD0];
	_ =	sdelay $0x2  }
0x91: {  	s15 =	simm.s32 $0xA;
	s4 =	simm.s32 $0x10  }
0x92: {  	[smem:s4], [sflag:s15] =	dma.local [hbm:s2], $0x1  }
0x93: {  	_ =	swait.eq [sflag:s15], $0x1  }
0x94: {  	[sflag:s15] =	ssyncset.done $0x0  }
0x95: {  	[sflag:s15] =	ssyncadd.s32 $0xFFFFFFFF  }
0x96: {  	s16 =	sld [smem:$0x10];
	(tm) =	ssettm $0x1  }
0x97: {  	s17 =	sld [smem:$0x3FFB];
	_ =	sdelay $0x3  }
0x98: {  	_ =	strace s17  }
0x99: {  	s3 =	sld [smem:$0x3FFC];
	_ =	sdelay $0x3  }
0x9a: {  	_ =	strace s3  }
0x9b: {  	s3 =	sld [smem:$0x3FFD];
	_ =	sdelay $0x3  }
0x9c: {  	_ =	strace s3  }
0x9d: {  	_ =	strace $0x8FFFFFFF  }
0x9e: {  	s18 =	sld [smem:$0x3FDB];
	_ =	sdelay $0x1  }
0x9f: {  	s19 =	simm.s32 $_scs_section_size  }
0xa0: {  	s5 =	simm.s32 $_size__tile_overlayer_lowered;
	s6 =	simm.s32 $_tile_overlayer_lowered  }
0xa1: {  	s22 =	simm.s32 $0x1BFF;
	s21 =	sshll.u32 s6, $0x1;
	s3 =	sadd.s32 s19, s18  }
0xa2: {  	s7 =	simm.s32 $0x0;
	s20 =	sshll.u32 s5, $0x1;
	s5 =	sadd.s32 s21, s3  }
0xa3: {  	[timem:s7], [sflag:s22] =	dma.local [hbm:s5], s20  }
0xa4: {  	_ =	swait.ge [sflag:s22], s20  }
0xa5: {  	s4 =	ssub.s32 $0x0, s20;
	[sflag:s22] =	ssyncset.done $0x0  }
0xa6: {  	[sflag:s22] =	ssyncadd.s32 s4;
	_ =	sdelay $0x1  }
0xa7: {  	s23 =	simm.s32 $0x1B8B  }
0xa8: {  	_ =	swait.ge [sflag:s23], $0x1  }
0xa9: {  	[sflag:s23] =	ssyncset.done $0x0  }
0xaa: {  	s25 =	simm.s32 $0x1B8E;
	s24 =	sld [smem:$0x3FFE];
	[sflag:s23] =	ssyncadd.s32 $0xFFFFFFFF  }
0xab: {  	s26 =	simm.s32 $execute0_lowered;
	[smem:$0x3FD2] =	sst s25  }
0xac: {  	s5 =	sshll.u32 s26, $0x1;
	_ =	strace $0x80000046;
	[dreg:$0x1] =	wrdreg $0xFFFFFFFF  }
0xad: {  	s28 =	simm.s32 $_size_execute0_lowered;
	s3 =	sadd.s32 s3, s5;
	[dreg:$0x0] =	wrdreg $0x0  }
0xae: {  	s5 =	sshll.u32 s28, $0x1;
	[dreg:$0x2] =	wrdreg s3  }
0xaf: {  	[dreg:$0x3] =	wrdreg s5  }
0xb0: {  	[dreg:$0x4] =	wrdreg $0xC0  }
0xb1: {  	_ =	task [dreg:s7], $0x5FFFF  }
0xb2: {  	[dreg:$0x1] =	wrdreg $0xFFFFFFFF  }
0xb3: {  	[dreg:$0x0] =	wrdreg $0x60  }
0xb4: {  	[dreg:$0x2] =	wrdreg s24  }
0xb5: {  	[dreg:$0x3] =	wrdreg s16  }
0xb6: {  	[dreg:$0x4] =	wrdreg $0x9  }
0xb7: {  	_ =	task.clear_ibuf [dreg:s7], $0x5FFFF;
	_ =	strace $0x90000046  }
0xb8: {  	s29 =	simm.s32 $0x9;
	_ =	strace $0x80000048  }
0xb9: {  	_ =	swait.ge [sflag:s29], $0x1  }
0xba: {  	[sflag:s29] =	ssyncadd.s32 $0xFFFFFFFF  }
0xbb: {  	_ =	strace $0x90000048  }
0xbc: {  	_ =	sfence  }
0xbd: {  	s30 =	sld [smem:$0x0];
	_ =	sdelay $0x2  }
0xbe: {  	s31 =	sshll.u32 s1, $0xD;
	s1 =	sshrl.u32 s1, $0x2  }
0xbf: {  	s3 =	sand.u32 $0x4000, s31;
	s1 =	sadd.s32 s1, s30  }
0xc0: {  	s0 =	sor.u32 s3, s0;
	s1 =	sshll.u32 s1, $0x11  }
0xc1: {  	s0 =	sor.u32 s1, s0  }
0xc2: {  	s0 =	sadd.s32 $0x8F2B, s0  }
0xc3: {  	[sflag:s0] =	ssyncadd.remote.s32 $0x1  }
0xc4: {  	_ =	sfence.sel $0xFFFF  }
0xc5: {  	[dreg:$0x0] =	wrdreg $0xFFFFFFFF;
	(pc) =	sbr.abs _section_cstart, $3  }
0xc6: {  	[dreg:$0x1] =	wrdreg $0xFFFFFFFF  }
0xc7: {  	_ =	task.clear_ibuf [dreg:s7], $0x2FFFF;
	_ =	strace $0x9FFFFFFF  }
0xc8: {  	(tm) =	ssettm $0x7FFFFFFF  }
0xc9: {  	_ =	shalt  }
tec
execute0_lowered:
.L_overlay_start_1:
0x0: {  	(tag) =	ssettag $0x1  }
0x1: {  	s3 =	stileid.u32  }
0x2: {  	p0 =	sgt.u32 s3, $0x3  }
.Ltmp0:
0x3: {  	_ = 	snop;
	(pc) =	sbr.rel @p0 .LBB2_35-.Ltmp0, $4  }
0x4: {  	_ = 	snop  }
0x5: {  	s0 =	rddreg [dreg:$0x0];
	s2 =	simm.s32 $0x0  }
0x6: {  	[smem:$0x7FF] =	sst s2  }
0x7: {  	s1 =	rddreg [dreg:$0x1];
	_ =	strace $0x80000047  }
0x8: {  	s3 =	srdreg.scid  }
0x9: {  	s4 =	stileid.u32;
	s3 =	sand.u32 $0x1, s3  }
0xa: {  	s4 =	sshll.u32 s4, $0x5;
	s5 =	sshll.u32 s3, $0x4  }
0xb: {  	s5 =	sor.u32 s5, s4  }
0xc: {  	s1 =	sadd.s32 s1, s5;
	s4 =	sadd.s32 s0, s5  }
0xd: {  	s6 =	sadd.s32 $0x28000, s0;
	[dreg:$0x3] =	wrdreg s1;
	s0 =	sadd.s32 $0x1E000, s4  }
0xe: {  	s16 =	sadd.s32 $0x23000, s4;
	[dreg:$0x4] =	wrdreg s0  }
0xf: {  	s17 =	sadd.s32 $0x2D000, s4;
	[dreg:$0x5] =	wrdreg s16  }
0x10: {  	s18 =	sadd.s32 $0x5000, s4;
	[dreg:$0x6] =	wrdreg s17  }
0x11: {  	s19 =	sadd.s32 $0x2D400, s4;
	[dreg:$0x7] =	wrdreg s18  }
0x12: {  	s28 =	simm.s32 $0x5000;
	s20 =	sadd.s32 $0xA000, s4;
	[dreg:$0x8] =	wrdreg s19  }
0x13: {  	s29 =	simm.s32 $0xA000;
	s21 =	sadd.s32 $0x2D800, s4;
	[dreg:$0x9] =	wrdreg s20  }
0x14: {  	s30 =	simm.s32 $0x1;
	s22 =	sadd.s32 $0xF000, s4;
	[dreg:$0xa] =	wrdreg s21  }
0x15: {  	s31 =	simm.s32 $0xF500;
	s23 =	sadd.s32 $0x2DC00, s4;
	[dreg:$0xb] =	wrdreg s22  }
0x16: {  	s25 =	ssub.s32 $0x2, s3;
	s24 =	sadd.s32 $0x14000, s4;
	[dreg:$0xc] =	wrdreg s23  }
0x17: {  	s26 =	sshrl.u32 s25, $0x1;
	s15 =	sadd.s32 $0x2E000, s4;
	[dreg:$0xd] =	wrdreg s24  }
0x18: {  	s16 =	sadd.s32 $0x19000, s4;
	s17 =	sadd.s32 $0x2E400, s4;
	s18 =	sadd.s32 $0x2E800, s4  }
0x19: {  	s19 =	sadd.s32 $0x2EC00, s4;
	s0 =	ssub.s32 s25, s26;
	s20 =	sadd.s32 s6, s5  }
0x1a: {  	v0 =	vimm.s32 $0x0;
	s22 =	simm.s32 $0x80;
	s23 =	simm.s32 $0x400;
	s24 =	simm.s32 $0x3  }
0x1b: {  	v1 =	vlaneseq.u32;
	v2 =	vimm.s32 $0x1;
	v3 =	vimm.s32 $0xFFFFFFFF;
	s25 =	simm.s32 $0xF780;
	s21 =	smax.u32 s0, $0x1;
	s0 =	simm.s32 $0x2  }
.LBB2_2:
0x1c: {  	s1 =	simm.s32 $0x0  }
0x1d: {  	[tilespmem:s1], [sflag:$0x3] =	stream.strided.gather [hbm4b:s20+s22], $0x5000, s23, s22, $0x38;
	[tilespmem:$0x10780] =	vst v63  }
0x1e: {  	_ =	swait.ge [sflag:s24], $0x5000  }
0x1f: {  	[sflag:s24] =	ssyncset.done $0x0  }
0x20: {  	s3 =	simm.s32 $0x40;
	s5 =	simm.s32 $0x0;
	[sflag:s24] =	ssyncadd.s32 $0xFFFFB000  }
.LBB2_3:
0x21: {  	p0 =	sne.s32 s3, $0x3FC0;
	[tilespmem:s5+$0xF780] =	vst v0;
	s5 =	smov.u32 s3;
	s3 =	sadd.s32 $0x40, s3  }
.Ltmp1:
0x22: {  	(pc) =	sbr.rel @p0 .LBB2_3-.Ltmp1, $2  }
0x23: {  	_ =	sdelay $0x2  }
0x24: {  	s5 =	sshra.s32 s5, $0x2  }
0x25: {  	[tilespmem:s5+$0xF780] =	vst v0  }
.LBB2_5:
0x26: {  	s3 =	sshra.s32 s1, $0x2  }
0x27: {  	v4 =	vld [tilespmem:s3+$0x0];
	_ =	sdelay $0x4  }
0x28: {  	v4 =	vshra.s32 v4, $0x13  }
0x29: {  	v4 =	vand.u32 $0xFFFFFFF0, v4  }
0x2a: {  	p0 =	sne.s32 s1, $0x13840;
	v4 =	vor.u32 v1, v4  }
.Ltmp2:
0x2b: {  	_ = 	snop;
	(pc) =	sbr.rel @p0 .LBB2_5-.Ltmp2, $2  }
0x2c: {  	_ =	sdelay $0x2  }
0x2d: {  	s1 =	sadd.s32 $0x40, s1;
	[tilespmem:v4+s25+$0x0] =	vst.idx.add.s32.msk $0xffff, v2  }
0x2e: {  	s1 =	simm.s32 $0x10770  }
0x2f: {  	v4 =	vld [tilespmem:s1+$0x0];
	_ =	sdelay $0x4  }
0x30: {  	(xrf0) =	vadd.scan.msk.s32 $0xffff, v4;
	_ =	sdelay $0x5  }
0x31: {  	v4, _, _ =	vpop (xrf0)  }
0x32: {  	(v2sf) =	vpush v4, $0xF  }
0x33: {  	s13 =	simm.s32 $0x10760  }
0x34: {  	s14 =	simm.s32 $0x10750;
	v4 =	vld [tilespmem:s13+$0x0]  }
0x35: {  	v5 =	vld [tilespmem:s14+$0x0];
	_ =	sdelay $0x3  }
0x36: {  	(xrf0) =	vadd.scan.msk.s32 $0xffff, v4  }
0x37: {  	(xrf0) =	vadd.scan.msk.s32 $0xffff, v5;
	_ =	sdelay $0x4  }
0x38: {  	v5, _, _ =	vpop (xrf0)  }
0x39: {  	(v2sf) =	vpush v5, $0xF;
	v5, _, _ =	vpop (xrf0)  }
0x3a: {  	s26 =	simm.s32 $0x10740;
	s10 =	spop (v2sf);
	(v2sf) =	vpush v5, $0xF  }
0x3b: {  	v4 =	vld [tilespmem:s26+$0x0];
	_ =	sdelay $0x2  }
0x3c: {  	p0 =	por $0x0, $0x0;
	s7 =	simm.s32 $0xFF;
	s6 =	simm.s32 $0xFE  }
0x3d: {  	s3 =	simm.s32 $0xFD;
	s5 =	simm.s32 $0xFB;
	s1 =	simm.s32 $0x0  }
0x3e: {  	s8 =	simm.s32 $0x10730;
	s9 =	simm.s32 $0xFA;
	s7 =	smov.u32 @p0 s1;
	(xrf0) =	vadd.scan.msk.s32 $0xffff, v4  }
0x3f: {  	s26 =	simm.s32 $0xFC;
	v4 =	vld [tilespmem:s8+$0x0];
	s11 =	sadd.s32 $0x0, s10;
	s10 =	simm.s32 $0x0  }
.LBB2_7:
0x40: {  	s12 =	smov.u32 s10  }
0x41: {  	p1 =	seq.s32 s9, $0x0;
	p2 =	sgt.s32 s11, $0x200;
	s10 =	smov.u32 s11  }
0x42: {  	s1 =	smov.u32 @p2 s7;
	p0 =	por p0, p2;
	s7 =	smov.u32 s6  }
.Ltmp3:
0x43: {  	s7 =	smov.u32 @p0 s1;
	s10 =	smov.u32 @p0 s12;
	(pc) =	sbr.rel @!p1 .LBB2_7-.Ltmp3, $4  }
0x44: {  	s6 =	smov.u32 s3;
	s3 =	smov.u32 s26;
	s26 =	smov.u32 s5;
	v5, _, _ =	vpop (xrf0)  }
0x45: {  	s5 =	smov.u32 s9;
	(xrf0) =	vadd.scan.msk.s32 $0xffff, v4;
	(v2sf) =	vpush v5, $0xF  }
0x46: {  	s8 =	sadd.s32 $0xFFFFFFF0, s8;
	s11 =	spop (v2sf)  }
0x47: {  	s9 =	sadd.s32 $0xFFFFFFFF, s9;
	v4 =	vld [tilespmem:s8+$0x0];
	s11 =	sadd.s32 s10, s11  }
0x48: {  	_ =	sdelay $0x3  }
0x49: {  	(xrf0) =	vadd.scan.msk.s32 $0xffff, v4;
	_ =	sdelay $0x1  }
0x4a: {  	v4, _, _ =	vpop (xrf0)  }
0x4b: {  	(v2sf) =	vpush v4, $0xF;
	_ =	sdelay $0x2  }
0x4c: {  	v4, _, _ =	vpop (xrf0)  }
0x4d: {  	(v2sf) =	vpush v4, $0xF  }
0x4e: {  	p1 =	sgt.s32 s11, $0x200  }
0x4f: {  	p0 =	por p0, p1  }
0x50: {  	s8 =	spop (v2sf);
	s11 =	smov.u32 @p0 s10  }
0x51: {  	s8 =	sadd.s32 s11, s8  }
0x52: {  	p2 =	sgt.s32 s8, $0x200  }
0x53: {  	p3 =	por p0, p2  }
0x54: {  	s8 =	smov.u32 @p3 s11;
	s9 =	spop (v2sf)  }
0x55: {  	s9 =	sadd.s32 s8, s9  }
0x56: {  	s1 =	smov.u32 @p1 s7;
	p1 =	sgt.s32 s9, $0x200  }
0x57: {  	s6 =	smov.u32 @p0 s1;
	p0 =	por p3, p1  }
0x58: {  	s9 =	smov.u32 @p0 s8;
	s13 =	spop (v2sf)  }
0x59: {  	s1 =	smov.u32 @p2 s6;
	s6 =	sadd.s32 s9, s13  }
0x5a: {  	s3 =	smov.u32 @p3 s1;
	p2 =	sgt.s32 s6, $0x200  }
0x5b: {  	s1 =	smov.u32 @p1 s3;
	p1 =	por p0, p2  }
0x5c: {  	s26 =	smov.u32 @p0 s1;
	s6 =	smov.u32 @p1 s9;
	s14 =	spop (v2sf)  }
0x5d: {  	s1 =	smov.u32 @p2 s26;
	s3 =	sadd.s32 s6, s14  }
0x5e: {  	s5 =	smov.u32 @p1 s1;
	p0 =	sgt.s32 s3, $0x200  }
0x5f: {  	p1 =	por p1, p0;
	s1 =	smov.u32 @p0 s5  }
0x60: {  	s5 =	simm.s32 $0x40;
	s3 =	smov.u32 @p1 s6;
	s6 =	simm.s32 $0x0  }
.LBB2_9:
0x61: {  	p0 =	seq.s32 s5, $0x3FC0;
	[tilespmem:s6+$0xF780] =	vst v0;
	s6 =	smov.u32 s5;
	s5 =	sadd.s32 $0x40, s5  }
.Ltmp4:
0x62: {  	(pc) =	sbr.rel @!p0 .LBB2_9-.Ltmp4, $2  }
0x63: {  	_ =	sdelay $0x2  }
0x64: {  	s6 =	sshra.s32 s6, $0x2  }
0x65: {  	[tilespmem:s6+$0xF780] =	vst v0;
	v4 =	vmov s1;
	s6 =	simm.s32 $0x0;
	s5 =	simm.s32 $0x40  }
.LBB2_11:
0x66: {  	p0 =	sne.s32 s5, $0x13840;
	v5 =	vld [tilespmem:s6+$0x0];
	_ =	sdelay $0x4  }
0x67: {  	v6 =	vshra.s32 v5, $0x17;
	v5 =	vshrl.u32 v5, $0xB  }
0x68: {  	vm0 =	veq.s32 v6, v4;
	v5 =	vand.u32 $0xFF0, v5  }
0x69: {  	v5 =	vor.u32 v1, v5  }
.Ltmp5:
0x6a: {  	(pc) =	sbr.rel @p0 .LBB2_11-.Ltmp5, $2  }
0x6b: {  	_ =	sdelay $0x2  }
0x6c: {  	s6 =	sshra.s32 s5, $0x2;
	s5 =	sadd.s32 $0x40, s5;
	[tilespmem:v5+s25+$0x0] =	vst.idx.add.s32.msk vm0, v2  }
0x6d: {  	v5 =	vld [tilespmem:s6+$0x0];
	_ =	sdelay $0x4  }
0x6e: {  	v6 =	vshra.s32 v5, $0x17;
	v5 =	vshrl.u32 v5, $0xB  }
0x6f: {  	vm0 =	veq.s32 v6, v4;
	v4 =	vand.u32 $0xFF0, v5  }
0x70: {  	v4 =	vor.u32 v1, v4;
	_ =	sdelay $0x4  }
0x71: {  	s5 =	simm.s32 $0x10770;
	[tilespmem:v4+s25+$0x0] =	vst.idx.add.s32.msk vm0, v2  }
0x72: {  	v4 =	vld [tilespmem:s5+$0x0];
	_ =	sdelay $0x4  }
0x73: {  	(xrf0) =	vadd.scan.msk.s32 $0xffff, v4;
	_ =	sdelay $0x5  }
0x74: {  	v4, _, _ =	vpop (xrf0)  }
0x75: {  	(v2sf) =	vpush v4, $0xF  }
0x76: {  	s13 =	simm.s32 $0x10760  }
0x77: {  	s14 =	simm.s32 $0x10750;
	v4 =	vld [tilespmem:s13+$0x0]  }
0x78: {  	v5 =	vld [tilespmem:s14+$0x0];
	_ =	sdelay $0x3  }
0x79: {  	(xrf0) =	vadd.scan.msk.s32 $0xffff, v4  }
0x7a: {  	(xrf0) =	vadd.scan.msk.s32 $0xffff, v5;
	_ =	sdelay $0x4  }
0x7b: {  	v5, _, _ =	vpop (xrf0)  }
0x7c: {  	(v2sf) =	vpush v5, $0xF;
	v5, _, _ =	vpop (xrf0)  }
0x7d: {  	s26 =	simm.s32 $0x10740;
	s13 =	spop (v2sf);
	(v2sf) =	vpush v5, $0xF  }
0x7e: {  	v4 =	vld [tilespmem:s26+$0x0];
	_ =	sdelay $0x1  }
0x7f: {  	s3 =	ssub.s32 $0x200, s3  }
0x80: {  	p0 =	por $0x0, $0x0;
	s10 =	simm.s32 $0x0;
	s8 =	simm.s32 $0xFF  }
0x81: {  	s9 =	simm.s32 $0xFE;
	s7 =	simm.s32 $0xFD;
	s6 =	simm.s32 $0xFB  }
0x82: {  	s11 =	simm.s32 $0x10730;
	s12 =	simm.s32 $0xFA;
	s26 =	simm.s32 $0xFFFFFFFF;
	(xrf0) =	vadd.scan.msk.s32 $0xffff, v4  }
0x83: {  	s5 =	simm.s32 $0xFC;
	s8 =	smov.u32 @p0 s26;
	v4 =	vld [tilespmem:s11+$0x0];
	s13 =	sadd.s32 $0x0, s13  }
.LBB2_13:
0x84: {  	s14 =	smov.u32 s10  }
0x85: {  	p1 =	seq.s32 s12, $0x0;
	p2 =	sgt.s32 s13, s3;
	s10 =	smov.u32 s13  }
0x86: {  	s26 =	smov.u32 @p2 s8;
	p0 =	por p0, p2;
	s8 =	smov.u32 s9  }
.Ltmp6:
0x87: {  	s8 =	smov.u32 @p0 s26;
	s10 =	smov.u32 @p0 s14;
	(pc) =	sbr.rel @!p1 .LBB2_13-.Ltmp6, $4  }
0x88: {  	s9 =	smov.u32 s7;
	s7 =	smov.u32 s5;
	s5 =	smov.u32 s6;
	v5, _, _ =	vpop (xrf0)  }
0x89: {  	s6 =	smov.u32 s12;
	(xrf0) =	vadd.scan.msk.s32 $0xffff, v4;
	(v2sf) =	vpush v5, $0xF  }
0x8a: {  	s11 =	sadd.s32 $0xFFFFFFF0, s11;
	s13 =	spop (v2sf)  }
0x8b: {  	s12 =	sadd.s32 $0xFFFFFFFF, s12;
	v4 =	vld [tilespmem:s11+$0x0];
	s13 =	sadd.s32 s10, s13  }
0x8c: {  	_ =	sdelay $0x3  }
0x8d: {  	(xrf0) =	vadd.scan.msk.s32 $0xffff, v4;
	_ =	sdelay $0x1  }
0x8e: {  	v4, _, _ =	vpop (xrf0)  }
0x8f: {  	(v2sf) =	vpush v4, $0xF;
	_ =	sdelay $0x2  }
0x90: {  	v4, _, _ =	vpop (xrf0)  }
0x91: {  	(v2sf) =	vpush v4, $0xF  }
0x92: {  	p1 =	sgt.s32 s13, s3  }
0x93: {  	p0 =	por p0, p1  }
0x94: {  	s11 =	spop (v2sf);
	s13 =	smov.u32 @p0 s10  }
0x95: {  	s10 =	sadd.s32 s13, s11  }
0x96: {  	p2 =	sgt.s32 s10, s3  }
0x97: {  	p3 =	por p0, p2  }
0x98: {  	s10 =	smov.u32 @p3 s13;
	s11 =	spop (v2sf)  }
0x99: {  	s26 =	smov.u32 @p1 s8;
	s8 =	sadd.s32 s10, s11  }
0x9a: {  	s9 =	smov.u32 @p0 s26;
	p0 =	sgt.s32 s8, s3  }
0x9b: {  	p1 =	por p3, p0  }
0x9c: {  	s26 =	smov.u32 @p2 s9;
	s8 =	smov.u32 @p1 s10;
	s12 =	spop (v2sf)  }
0x9d: {  	s7 =	smov.u32 @p3 s26;
	s9 =	sadd.s32 s8, s12  }
0x9e: {  	s26 =	smov.u32 @p0 s7;
	p0 =	sgt.s32 s9, s3  }
0x9f: {  	s5 =	smov.u32 @p1 s26;
	p1 =	por p1, p0  }
0xa0: {  	s9 =	smov.u32 @p1 s8;
	s13 =	spop (v2sf)  }
0xa1: {  	s26 =	smov.u32 @p0 s5;
	s14 =	sadd.s32 s9, s13  }
0xa2: {  	s6 =	smov.u32 @p1 s26;
	p0 =	sgt.s32 s14, s3  }
0xa3: {  	s5 =	simm.s32 $0x0;
	s3 =	simm.s32 $0x40;
	s26 =	smov.u32 @p0 s6  }
.LBB2_15:
0xa4: {  	p0 =	seq.s32 s3, $0x800;
	[tilespmem:s5+$0xF000] =	vst v3;
	s6 =	smov.u32 s3;
	s3 =	sadd.s32 $0x40, s3  }
.Ltmp7:
0xa5: {  	[tilespmem:s5+$0xF280] =	vst v0;
	(pc) =	sbr.rel @!p0 .LBB2_15-.Ltmp7, $2  }
0xa6: {  	_ =	sdelay $0x2  }
0xa7: {  	s5 =	sshra.s32 s6, $0x2  }
0xa8: {  	s1 =	sshll.u32 s1, $0x17;
	s3 =	sshll.u32 s26, $0xF  }
0xa9: {  	s1 =	sadd.s32 s1, s3  }
0xaa: {  	[tilespmem:s5+$0xF000] =	vst v3;
	s1 =	sadd.s32 $0x8000, s1  }
0xab: {  	[tilespmem:s5+$0xF280] =	vst v0;
	v4 =	vmov s1;
	s1 =	simm.s32 $0x0  }
0xac: {  	v5 =	vld [tilespmem:s1+$0x0];
	_ =	sdelay $0x4  }
0xad: {  	vm0 =	vge.s32 v5, v4  }
0xae: {  	v6 =	vsel vm0, $0x1, v0  }
0xaf: {  	(xrf0) =	vadd.scan.msk.s32 $0xffff, v6;
	_ =	sdelay $0x5  }
0xb0: {  	v6, _, _ =	vpop (xrf0)  }
0xb1: {  	(v2sf) =	vpush v6, $0xF  }
0xb2: {  	[tilespmem:s1+$0xF000] =	vst.msk vm0, v5;
	v5 =	vor.u32 s1, v1  }
0xb3: {  	s3 =	simm.s32 $0x10;
	[tilespmem:s1+$0xF280] =	vst.msk vm0, v5  }
0xb4: {  	s5 =	simm.s32 $0x20;
	s6 =	simm.s32 $0x10;
	v5 =	vld [tilespmem:s3+$0x0]  }
.LBB2_17:
0xb5: {  	p0 =	sne.s32 s5, $0x4E10;
	_ =	sdelay $0x3  }
0xb6: {  	vm0 =	vge.s32 v5, v4  }
0xb7: {  	v6 =	vsel vm0, $0x1, v0  }
0xb8: {  	(xrf0) =	vadd.scan.msk.s32 $0xffff, v6;
	_ =	sdelay $0x4  }
0xb9: {  	s7 =	spop (v2sf)  }
.Ltmp8:
0xba: {  	v6, _, _ =	vpop (xrf0);
	s1 =	sadd.s32 s1, s7;
	(pc) =	sbr.rel @p0 .LBB2_17-.Ltmp8, $4  }
0xbb: {  	[tilespmem:s1+$0xF000] =	vst.msk vm0, v5;
	v5 =	vor.u32 s3, v1;
	(v2sf) =	vpush v6, $0xF;
	s3 =	smov.u32 s5  }
0xbc: {  	[tilespmem:s1+$0xF280] =	vst.msk vm0, v5  }
0xbd: {  	s6 =	sadd.s32 $0x10, s6  }
0xbe: {  	s5 =	sadd.s32 $0x10, s5;
	v5 =	vld [tilespmem:s6+$0x0]  }
0xbf: {  	_ =	sdelay $0x3  }
0xc0: {  	vm0 =	vge.s32 v5, v4  }
0xc1: {  	v4 =	vsel vm0, $0x1, v0  }
0xc2: {  	(xrf0) =	vadd.scan.msk.s32 $0xffff, v4;
	_ =	sdelay $0x5  }
0xc3: {  	v4, _, _ =	vpop (xrf0)  }
0xc4: {  	(v2sf) =	vpush v4, $0xF;
	_ =	sdelay $0x9  }
0xc5: {  	s5 =	spop (v2sf)  }
0xc6: {  	s1 =	sadd.s32 s1, s5  }
0xc7: {  	[tilespmem:s1+$0xF000] =	vst.msk vm0, v5;
	v4 =	vor.u32 s3, v1  }
0xc8: {  	s13 =	simm.s32 $0xF000;
	[tilespmem:s1+$0xF280] =	vst.msk vm0, v4;
	s1 =	rddreg [dreg:$0x3]  }
0xc9: {  	[hbm4b:s1+s22] =	stream.strided.scatter [tilespmem:s13], [sflag:$0x3], $0x280, s23, s22, $0x38;
	[tilespmem:$0x10780] =	vst v63  }
0xca: {  	s12 =	spop (v2sf)  }
0xcb: {  	_ =	swait.ge [sflag:s24], $0x280  }
0xcc: {  	[sflag:s24] =	ssyncset.done $0x0  }
0xcd: {  	s14 =	rddreg [dreg:$0x4];
	[sflag:s24] =	ssyncadd.s32 $0xFFFFFD80  }
0xce: {  	[tilespmem:s28], [sflag:$0x1] =	stream.strided.gather [hbm4b:s14+s22], $0x5000, s23, s22, $0x38;
	[tilespmem:$0x10780] =	vst v63  }
0xcf: {  	s26 =	rddreg [dreg:$0x5]  }
0xd0: {  	[tilespmem:s29], [sflag:$0x2] =	stream.strided.gather [hbm4b:s26+s22], $0x5000, s23, s22, $0x38;
	[tilespmem:$0x10780] =	vst v63  }
0xd1: {  	_ =	swait.ge [sflag:s30], $0x5000  }
0xd2: {  	[sflag:s30] =	ssyncset.done $0x0  }
0xd3: {  	s1 =	simm.s32 $0x0;
	[sflag:s30] =	ssyncadd.s32 $0xFFFFB000  }
0xd4: {  	v4 =	vld [tilespmem:s1+$0xF280];
	_ =	sdelay $0x7  }
0xd5: {  	s5 =	simm.s32 $0x80;
	s3 =	simm.s32 $0x10;
	v4 =	vld.idx.msk [tilespmem:v4+s28+$0x0], $0xffff  }
.LBB2_19:
0xd6: {  	p0 =	sne.s32 s5, $0x800;
	v5 =	vld [tilespmem:s3+$0xF280];
	_ =	sdelay $0x3  }
.Ltmp9:
0xd7: {  	(pc) =	sbr.rel @p0 .LBB2_19-.Ltmp9, $2  }
0xd8: {  	[tilespmem:s1+$0xF500] =	vst v4;
	s1 =	smov.u32 s3;
	_ =	sdelay $0x2  }
0xd9: {  	s3 =	sshra.s32 s5, $0x2;
	s5 =	sadd.s32 $0x40, s5;
	v4 =	vld.idx.msk [tilespmem:v5+s28+$0x0], $0xffff  }
0xda: {  	v5 =	vld [tilespmem:s3+$0xF280];
	_ =	sdelay $0x6  }
0xdb: {  	[tilespmem:s1+$0xF500] =	vst v4  }
0xdc: {  	v4 =	vld.idx.msk [tilespmem:v5+s28+$0x0], $0xffff;
	_ =	sdelay $0x4  }
0xdd: {  	s14 =	rddreg [dreg:$0x6];
	[tilespmem:s3+$0xF500] =	vst v4  }
0xde: {  	[hbm4b:s14+s22] =	stream.strided.scatter [tilespmem:s31], [sflag:$0x3], $0x280, s23, s22, $0x38;
	[tilespmem:$0x10780] =	vst v63  }
0xdf: {  	_ =	swait.ge [sflag:s24], $0x280  }
0xe0: {  	[sflag:s24] =	ssyncset.done $0x0  }
0xe1: {  	s26 =	rddreg [dreg:$0x7];
	[sflag:s24] =	ssyncadd.s32 $0xFFFFFD80  }
0xe2: {  	[tilespmem:s28], [sflag:$0x1] =	stream.strided.gather [hbm4b:s26+s22], $0x5000, s23, s22, $0x38;
	[tilespmem:$0x10780] =	vst v63  }
0xe3: {  	_ =	swait.ge [sflag:s0], $0x5000  }
0xe4: {  	[sflag:s0] =	ssyncset.done $0x0  }
0xe5: {  	s1 =	simm.s32 $0x0;
	[sflag:s0] =	ssyncadd.s32 $0xFFFFB000  }
0xe6: {  	v4 =	vld [tilespmem:s1+$0xF280];
	_ =	sdelay $0x7  }
0xe7: {  	s5 =	simm.s32 $0x80;
	s3 =	simm.s32 $0x10;
	v4 =	vld.idx.msk [tilespmem:v4+s29+$0x0], $0xffff  }
.LBB2_21:
0xe8: {  	p0 =	sne.s32 s5, $0x800;
	v5 =	vld [tilespmem:s3+$0xF280];
	_ =	sdelay $0x3  }
.Ltmp10:
0xe9: {  	(pc) =	sbr.rel @p0 .LBB2_21-.Ltmp10, $2  }
0xea: {  	[tilespmem:s1+$0xF500] =	vst v4;
	s1 =	smov.u32 s3;
	_ =	sdelay $0x2  }
0xeb: {  	s3 =	sshra.s32 s5, $0x2;
	s5 =	sadd.s32 $0x40, s5;
	v4 =	vld.idx.msk [tilespmem:v5+s29+$0x0], $0xffff  }
0xec: {  	v5 =	vld [tilespmem:s3+$0xF280];
	_ =	sdelay $0x6  }
0xed: {  	[tilespmem:s1+$0xF500] =	vst v4  }
0xee: {  	v4 =	vld.idx.msk [tilespmem:v5+s29+$0x0], $0xffff;
	_ =	sdelay $0x4  }
0xef: {  	s14 =	rddreg [dreg:$0x8];
	[tilespmem:s3+$0xF500] =	vst v4  }
0xf0: {  	[hbm4b:s14+s22] =	stream.strided.scatter [tilespmem:s31], [sflag:$0x3], $0x280, s23, s22, $0x38;
	[tilespmem:$0x10780] =	vst v63  }
0xf1: {  	_ =	swait.ge [sflag:s24], $0x280  }
0xf2: {  	[sflag:s24] =	ssyncset.done $0x0  }
0xf3: {  	s26 =	rddreg [dreg:$0x9];
	[sflag:s24] =	ssyncadd.s32 $0xFFFFFD80  }
0xf4: {  	[tilespmem:s29], [sflag:$0x2] =	stream.strided.gather [hbm4b:s26+s22], $0x5000, s23, s22, $0x38;
	[tilespmem:$0x10780] =	vst v63  }
0xf5: {  	_ =	swait.ge [sflag:s30], $0x5000  }
0xf6: {  	[sflag:s30] =	ssyncset.done $0x0  }
0xf7: {  	s1 =	simm.s32 $0x0;
	[sflag:s30] =	ssyncadd.s32 $0xFFFFB000  }
0xf8: {  	v4 =	vld [tilespmem:s1+$0xF280];
	_ =	sdelay $0x7  }
0xf9: {  	s5 =	simm.s32 $0x80;
	s3 =	simm.s32 $0x10;
	v4 =	vld.idx.msk [tilespmem:v4+s28+$0x0], $0xffff  }
.LBB2_23:
0xfa: {  	p0 =	sne.s32 s5, $0x800;
	v5 =	vld [tilespmem:s3+$0xF280];
	_ =	sdelay $0x3  }
.Ltmp11:
0xfb: {  	(pc) =	sbr.rel @p0 .LBB2_23-.Ltmp11, $2  }
0xfc: {  	[tilespmem:s1+$0xF500] =	vst v4;
	s1 =	smov.u32 s3;
	_ =	sdelay $0x2  }
0xfd: {  	s3 =	sshra.s32 s5, $0x2;
	s5 =	sadd.s32 $0x40, s5;
	v4 =	vld.idx.msk [tilespmem:v5+s28+$0x0], $0xffff  }
0xfe: {  	v5 =	vld [tilespmem:s3+$0xF280];
	_ =	sdelay $0x6  }
0xff: {  	[tilespmem:s1+$0xF500] =	vst v4  }
0x100: {  	v4 =	vld.idx.msk [tilespmem:v5+s28+$0x0], $0xffff;
	_ =	sdelay $0x4  }
0x101: {  	s14 =	rddreg [dreg:$0xa];
	[tilespmem:s3+$0xF500] =	vst v4  }
0x102: {  	[hbm4b:s14+s22] =	stream.strided.scatter [tilespmem:s31], [sflag:$0x3], $0x280, s23, s22, $0x38;
	[tilespmem:$0x10780] =	vst v63  }
0x103: {  	_ =	swait.ge [sflag:s24], $0x280  }
0x104: {  	[sflag:s24] =	ssyncset.done $0x0  }
0x105: {  	s26 =	rddreg [dreg:$0xb];
	[sflag:s24] =	ssyncadd.s32 $0xFFFFFD80  }
0x106: {  	[tilespmem:s28], [sflag:$0x1] =	stream.strided.gather [hbm4b:s26+s22], $0x5000, s23, s22, $0x38;
	[tilespmem:$0x10780] =	vst v63  }
0x107: {  	_ =	swait.ge [sflag:s0], $0x5000  }
0x108: {  	[sflag:s0] =	ssyncset.done $0x0  }
0x109: {  	s1 =	simm.s32 $0x0;
	[sflag:s0] =	ssyncadd.s32 $0xFFFFB000  }
0x10a: {  	v4 =	vld [tilespmem:s1+$0xF280];
	_ =	sdelay $0x7  }
0x10b: {  	s5 =	simm.s32 $0x80;
	s3 =	simm.s32 $0x10;
	v4 =	vld.idx.msk [tilespmem:v4+s29+$0x0], $0xffff  }
.LBB2_25:
0x10c: {  	p0 =	sne.s32 s5, $0x800;
	v5 =	vld [tilespmem:s3+$0xF280];
	_ =	sdelay $0x3  }
.Ltmp12:
0x10d: {  	(pc) =	sbr.rel @p0 .LBB2_25-.Ltmp12, $2  }
0x10e: {  	[tilespmem:s1+$0xF500] =	vst v4;
	s1 =	smov.u32 s3;
	_ =	sdelay $0x2  }
0x10f: {  	s3 =	sshra.s32 s5, $0x2;
	s5 =	sadd.s32 $0x40, s5;
	v4 =	vld.idx.msk [tilespmem:v5+s29+$0x0], $0xffff  }
0x110: {  	v5 =	vld [tilespmem:s3+$0xF280];
	_ =	sdelay $0x6  }
0x111: {  	[tilespmem:s1+$0xF500] =	vst v4  }
0x112: {  	v4 =	vld.idx.msk [tilespmem:v5+s29+$0x0], $0xffff;
	_ =	sdelay $0x4  }
0x113: {  	s14 =	rddreg [dreg:$0xc];
	[tilespmem:s3+$0xF500] =	vst v4  }
0x114: {  	[hbm4b:s14+s22] =	stream.strided.scatter [tilespmem:s31], [sflag:$0x3], $0x280, s23, s22, $0x38;
	[tilespmem:$0x10780] =	vst v63  }
0x115: {  	_ =	swait.ge [sflag:s24], $0x280  }
0x116: {  	[sflag:s24] =	ssyncset.done $0x0  }
0x117: {  	s26 =	rddreg [dreg:$0xd];
	[sflag:s24] =	ssyncadd.s32 $0xFFFFFD80  }
0x118: {  	[tilespmem:s29], [sflag:$0x2] =	stream.strided.gather [hbm4b:s26+s22], $0x5000, s23, s22, $0x38;
	[tilespmem:$0x10780] =	vst v63  }
0x119: {  	_ =	swait.ge [sflag:s30], $0x5000  }
0x11a: {  	[sflag:s30] =	ssyncset.done $0x0  }
0x11b: {  	s1 =	simm.s32 $0x0;
	[sflag:s30] =	ssyncadd.s32 $0xFFFFB000  }
0x11c: {  	v4 =	vld [tilespmem:s1+$0xF280];
	_ =	sdelay $0x7  }
0x11d: {  	s5 =	simm.s32 $0x80;
	s3 =	simm.s32 $0x10;
	v4 =	vld.idx.msk [tilespmem:v4+s28+$0x0], $0xffff  }
.LBB2_27:
0x11e: {  	p0 =	sne.s32 s5, $0x800;
	v5 =	vld [tilespmem:s3+$0xF280];
	_ =	sdelay $0x3  }
.Ltmp13:
0x11f: {  	(pc) =	sbr.rel @p0 .LBB2_27-.Ltmp13, $2  }
0x120: {  	[tilespmem:s1+$0xF500] =	vst v4;
	s1 =	smov.u32 s3;
	_ =	sdelay $0x2  }
0x121: {  	s3 =	sshra.s32 s5, $0x2;
	s5 =	sadd.s32 $0x40, s5;
	v4 =	vld.idx.msk [tilespmem:v5+s28+$0x0], $0xffff  }
0x122: {  	v5 =	vld [tilespmem:s3+$0xF280];
	_ =	sdelay $0x6  }
0x123: {  	[tilespmem:s1+$0xF500] =	vst v4  }
0x124: {  	v4 =	vld.idx.msk [tilespmem:v5+s28+$0x0], $0xffff;
	_ =	sdelay $0x4  }
0x125: {  	[tilespmem:s3+$0xF500] =	vst v4  }
0x126: {  	[hbm4b:s15+s22] =	stream.strided.scatter [tilespmem:s31], [sflag:$0x3], $0x280, s23, s22, $0x38;
	[tilespmem:$0x10780] =	vst v63  }
0x127: {  	_ =	swait.ge [sflag:s24], $0x280  }
0x128: {  	[sflag:s24] =	ssyncset.done $0x0  }
0x129: {  	[sflag:s24] =	ssyncadd.s32 $0xFFFFFD80  }
0x12a: {  	[tilespmem:s28], [sflag:$0x1] =	stream.strided.gather [hbm4b:s16+s22], $0x5000, s23, s22, $0x38;
	[tilespmem:$0x10780] =	vst v63  }
0x12b: {  	_ =	swait.ge [sflag:s0], $0x5000  }
0x12c: {  	[sflag:s0] =	ssyncset.done $0x0  }
0x12d: {  	s1 =	simm.s32 $0x0;
	[sflag:s0] =	ssyncadd.s32 $0xFFFFB000  }
0x12e: {  	v4 =	vld [tilespmem:s1+$0xF280];
	_ =	sdelay $0x7  }
0x12f: {  	s5 =	simm.s32 $0x80;
	s3 =	simm.s32 $0x10;
	v4 =	vld.idx.msk [tilespmem:v4+s29+$0x0], $0xffff  }
.LBB2_29:
0x130: {  	p0 =	sne.s32 s5, $0x800;
	v5 =	vld [tilespmem:s3+$0xF280];
	_ =	sdelay $0x3  }
.Ltmp14:
0x131: {  	(pc) =	sbr.rel @p0 .LBB2_29-.Ltmp14, $2  }
0x132: {  	[tilespmem:s1+$0xF500] =	vst v4;
	s1 =	smov.u32 s3;
	_ =	sdelay $0x2  }
0x133: {  	s3 =	sshra.s32 s5, $0x2;
	s5 =	sadd.s32 $0x40, s5;
	v4 =	vld.idx.msk [tilespmem:v5+s29+$0x0], $0xffff  }
0x134: {  	v5 =	vld [tilespmem:s3+$0xF280];
	_ =	sdelay $0x6  }
0x135: {  	[tilespmem:s1+$0xF500] =	vst v4  }
0x136: {  	v4 =	vld.idx.msk [tilespmem:v5+s29+$0x0], $0xffff;
	_ =	sdelay $0x4  }
0x137: {  	[tilespmem:s3+$0xF500] =	vst v4  }
0x138: {  	[hbm4b:s17+s22] =	stream.strided.scatter [tilespmem:s31], [sflag:$0x3], $0x280, s23, s22, $0x38;
	[tilespmem:$0x10780] =	vst v63  }
0x139: {  	_ =	swait.ge [sflag:s24], $0x280  }
0x13a: {  	[sflag:s24] =	ssyncset.done $0x0  }
0x13b: {  	[sflag:s24] =	ssyncadd.s32 $0xFFFFFD80  }
0x13c: {  	[tilespmem:s29], [sflag:$0x2] =	stream.strided.gather [hbm4b:s4+s22], $0x5000, s23, s22, $0x38;
	[tilespmem:$0x10780] =	vst v63  }
0x13d: {  	_ =	swait.ge [sflag:s30], $0x5000  }
0x13e: {  	[sflag:s30] =	ssyncset.done $0x0  }
0x13f: {  	s1 =	simm.s32 $0x0;
	[sflag:s30] =	ssyncadd.s32 $0xFFFFB000  }
0x140: {  	v4 =	vld [tilespmem:s1+$0xF280];
	_ =	sdelay $0x7  }
0x141: {  	s5 =	simm.s32 $0x80;
	s3 =	simm.s32 $0x10;
	v4 =	vld.idx.msk [tilespmem:v4+s28+$0x0], $0xffff  }
.LBB2_31:
0x142: {  	p0 =	sne.s32 s5, $0x800;
	v5 =	vld [tilespmem:s3+$0xF280];
	_ =	sdelay $0x3  }
.Ltmp15:
0x143: {  	(pc) =	sbr.rel @p0 .LBB2_31-.Ltmp15, $2  }
0x144: {  	[tilespmem:s1+$0xF500] =	vst v4;
	s1 =	smov.u32 s3;
	_ =	sdelay $0x2  }
0x145: {  	s3 =	sshra.s32 s5, $0x2;
	s5 =	sadd.s32 $0x40, s5;
	v4 =	vld.idx.msk [tilespmem:v5+s28+$0x0], $0xffff  }
0x146: {  	v5 =	vld [tilespmem:s3+$0xF280];
	_ =	sdelay $0x6  }
0x147: {  	[tilespmem:s1+$0xF500] =	vst v4  }
0x148: {  	v4 =	vld.idx.msk [tilespmem:v5+s28+$0x0], $0xffff;
	_ =	sdelay $0x4  }
0x149: {  	[tilespmem:s3+$0xF500] =	vst v4  }
0x14a: {  	[hbm4b:s18+s22] =	stream.strided.scatter [tilespmem:s31], [sflag:$0x3], $0x280, s23, s22, $0x38;
	[tilespmem:$0x10780] =	vst v63  }
0x14b: {  	_ =	swait.ge [sflag:s24], $0x280  }
0x14c: {  	[sflag:s24] =	ssyncset.done $0x0  }
0x14d: {  	[sflag:s24] =	ssyncadd.s32 $0xFFFFFD80  }
0x14e: {  	_ =	swait.ge [sflag:s0], $0x5000  }
0x14f: {  	[sflag:s0] =	ssyncset.done $0x0  }
0x150: {  	s1 =	simm.s32 $0x0;
	[sflag:s0] =	ssyncadd.s32 $0xFFFFB000  }
0x151: {  	v4 =	vld [tilespmem:s1+$0xF280];
	_ =	sdelay $0x7  }
0x152: {  	s5 =	simm.s32 $0x80;
	s3 =	simm.s32 $0x10;
	v4 =	vld.idx.msk [tilespmem:v4+s29+$0x0], $0xffff  }
.LBB2_33:
0x153: {  	p0 =	sne.s32 s5, $0x800;
	v5 =	vld [tilespmem:s3+$0xF280];
	_ =	sdelay $0x3  }
.Ltmp16:
0x154: {  	(pc) =	sbr.rel @p0 .LBB2_33-.Ltmp16, $2  }
0x155: {  	[tilespmem:s1+$0xF500] =	vst v4;
	s1 =	smov.u32 s3;
	_ =	sdelay $0x2  }
0x156: {  	s3 =	sshra.s32 s5, $0x2;
	s5 =	sadd.s32 $0x40, s5;
	v4 =	vld.idx.msk [tilespmem:v5+s29+$0x0], $0xffff  }
0x157: {  	v5 =	vld [tilespmem:s3+$0xF280];
	_ =	sdelay $0x6  }
0x158: {  	[tilespmem:s1+$0xF500] =	vst v4  }
0x159: {  	v4 =	vld.idx.msk [tilespmem:v5+s29+$0x0], $0xffff;
	_ =	sdelay $0x2  }
0x15a: {  	s2 =	sadd.s32 $0x1, s2  }
0x15b: {  	p0 =	sne.s32 s2, s21  }
.Ltmp17:
0x15c: {  	[tilespmem:s3+$0xF500] =	vst v4;
	(pc) =	sbr.rel @p0 .LBB2_2-.Ltmp17, $4  }
0x15d: {  	[hbm4b:s19+s22] =	stream.strided.scatter [tilespmem:s31], [sflag:$0x3], $0x280, s23, s22, $0x38;
	[tilespmem:$0x10780] =	vst v63  }
0x15e: {  	_ =	swait.ge [sflag:s24], $0x280  }
0x15f: {  	[sflag:s24] =	ssyncset.done $0x0  }
0x160: {  	[sflag:s24] =	ssyncadd.s32 $0xFFFFFD80  }
.LBB2_35:
0x161: {  	_ =	sfence.sel $0x180000  }
0x162: {  	[bflag:$0x0] =	sbarrier.arrive $0xFFFF  }
0x163: {  	_ =	strace $0x90000047  }
0x164: {  	s0 =	stileid.u32;
	[bflag:$0x2] =	sbarrier.arrive $0xFFFF  }
0x165: {  	p0 =	sne.s32 s0, $0x0;
	s0 =	rddreg [dreg:$0x2]  }
0x166: {  	s0 =	sadd.s32 @!p0 $0x100000, s0  }
0x167: {  	[sflag:s0] =	ssyncadd.tile.s32 @!p0 $0x1;
	_ =	shalt  }
.Lfunc_end2:
_tile_overlayer_lowered:
.L_overlay_start_2:
0x168: {  	(tag) =	ssettag $0x2  }
0x169: {  	s0 =	rddreg [dreg:$0x0];
	s2 =	stileid.u32  }
0x16a: {  	s1 =	rddreg [dreg:$0x1];
	p0 =	sne.s32 s2, $0x0  }
0x16b: {  	s3 =	rddreg [dreg:$0x2];
	[bflag:$0x3] =	sbarrier.arrive $0xFFFF;
	s2 =	simm.s32 @!p0 $0x1C03  }
0x16c: {  	[timem:s3], [sflag:s2] =	dma.local @!p0 [hbm:s0], s1  }
0x16d: {  	s0 =	simm.s32 @!p0 $0x3  }
0x16e: {  	_ =	swait.ge @!p0 [sflag:s0], s1  }
0x16f: {  	s1 =	ssub.s32 @!p0 $0x0, s1;
	[sflag:s0] =	ssyncset.done @!p0 $0x0  }
0x170: {  	[sflag:s0] =	ssyncadd.s32 @!p0 s1  }
0x171: {  	[bflag:$0x3] =	sbarrier.arrive $0xFFFF  }
0x172: {  	_ =	shalt  }

</sc_bundles>
